<compile_context>
chip_gen: v7x
topology: tpu7x:2x2x1
jax: 0.10.2.dev20260603
libtpu: 0.0.44.dev20260713+nightly
codegen_flags: <defaults>
</compile_context>

<pallas_src>
import functools

import jax
import jax.numpy as jnp
from jax import lax
from jax.experimental import pallas as pl
from jax.experimental.pallas import tpu as pltpu
from jax.experimental.pallas import tpu_sc as plsc

NC = 2
NS = 16
LANES = 16

NNODES = 10000
NPAD = 10240
HID = 64
CHUNK = 128
CH_PER_TILE = 80
EPAD = NC * NS * CH_PER_TILE * CHUNK
ROWS_PER_TILE = NPAD // NS
BR = 1024
DEGW = 8
NBUF = 2


def _sc_mesh():
    return plsc.VectorSubcoreMesh(
        core_axis_name="c", subcore_axis_name="s", num_cores=NC, num_subcores=NS
    )


_SC_PARAMS = pltpu.CompilerParams(use_tc_tiling_on_sc=False)


def _sc_degree(dst_r, const8):
    @functools.partial(
        pl.kernel,
        out_type=jax.ShapeDtypeStruct((NC, NPAD, DEGW), jnp.float32),
        mesh=_sc_mesh(),
        scratch_types=[
            pltpu.VMEM((CH_PER_TILE, CHUNK), jnp.int32),
            pltpu.VMEM((CHUNK, DEGW), jnp.float32),
            pltpu.VMEM_SHARED((NPAD, DEGW), jnp.float32),
            pltpu.SemaphoreType.DMA,
        ],
        compiler_params=_SC_PARAMS,
    )
    def deg_kernel(dst_hbm, c8_hbm, out_hbm, dst_v, ones_v, acc_sh, sem):
        c = lax.axis_index("c")
        s = lax.axis_index("s")
        pltpu.sync_copy(c8_hbm.at[0], ones_v)
        for z in range(ROWS_PER_TILE // CHUNK):
            pltpu.sync_copy(
                c8_hbm.at[1],
                acc_sh.at[pl.ds(s * ROWS_PER_TILE + z * CHUNK, CHUNK)])
        plsc.subcore_barrier()

        pltpu.sync_copy(dst_hbm.at[c, s], dst_v)

        def body(j, carry):
            for k in range(8):
                pltpu.async_copy(ones_v, acc_sh.at[dst_v.at[j * 8 + k]], sem,
                                 add=True)
            for k in range(8):
                pltpu.make_async_copy(ones_v, acc_sh.at[dst_v.at[j * 8 + k]],
                                      sem).wait()
            return carry

        lax.fori_loop(0, CH_PER_TILE // 8, body, 0)
        plsc.subcore_barrier()
        pltpu.sync_copy(
            acc_sh.at[pl.ds(s * ROWS_PER_TILE, ROWS_PER_TILE)],
            out_hbm.at[c, pl.ds(s * ROWS_PER_TILE, ROWS_PER_TILE)],
        )

    return deg_kernel(dst_r, const8)


def _sc_aggregate(g, src_r, dst_r):
    @functools.partial(
        pl.kernel,
        out_type=jax.ShapeDtypeStruct((NC, NPAD, HID), jnp.float32),
        mesh=_sc_mesh(),
        scratch_types=[
            pltpu.VMEM((CH_PER_TILE, CHUNK), jnp.int32),
            pltpu.VMEM((CH_PER_TILE, CHUNK), jnp.int32),
            [pltpu.VMEM((CHUNK, HID), jnp.float32) for _ in range(NBUF)],
            pltpu.VMEM((CHUNK, HID), jnp.float32),
            pltpu.VMEM_SHARED((NPAD, HID), jnp.float32),
            pltpu.VMEM_SHARED((NPAD, HID), jnp.float32),
            [pltpu.SemaphoreType.DMA for _ in range(NBUF)],
            [pltpu.SemaphoreType.DMA for _ in range(NBUF)],
        ],
        compiler_params=_SC_PARAMS,
    )
    def agg_kernel(g_hbm, src_hbm, dst_hbm, out_hbm, src_v, dst_v, rows,
                   zero_v, acc_sh, g_sh, gsems, ssems):
        c = lax.axis_index("c")
        s = lax.axis_index("s")

        def fill_zero(i, carry):
            for k in range(HID // LANES):
                zero_v[i, pl.ds(k * LANES, LANES)] = jnp.zeros((LANES,), jnp.float32)
            return carry

        lax.fori_loop(0, CHUNK, fill_zero, 0)
        for z in range(ROWS_PER_TILE // CHUNK):
            pltpu.sync_copy(
                zero_v,
                acc_sh.at[pl.ds(s * ROWS_PER_TILE + z * CHUNK, CHUNK)])
        pltpu.sync_copy(g_hbm.at[pl.ds(s * ROWS_PER_TILE, ROWS_PER_TILE)],
                        g_sh.at[pl.ds(s * ROWS_PER_TILE, ROWS_PER_TILE)])
        plsc.subcore_barrier()

        pltpu.sync_copy(src_hbm.at[c, s], src_v)
        pltpu.sync_copy(dst_hbm.at[c, s], dst_v)

        def body(i, carry):
            for k in range(NBUF):
                j = NBUF * i + k

                @pl.when(i > 0)
                def _(k=k, j=j):
                    pltpu.make_async_copy(
                        rows[k], acc_sh.at[dst_v.at[j]], ssems[k]).wait()

                pltpu.async_copy(g_sh.at[src_v.at[j]], rows[k], gsems[k])
            for k in range(NBUF):
                j = NBUF * i + k
                pltpu.make_async_copy(
                    g_sh.at[src_v.at[j]], rows[k], gsems[k]).wait()
                pltpu.async_copy(rows[k], acc_sh.at[dst_v.at[j]], ssems[k],
                                 add=True)
            return carry

        lax.fori_loop(0, CH_PER_TILE // NBUF, body, 0)
        for k in range(NBUF):
            pltpu.make_async_copy(rows[k], acc_sh.at[dst_v.at[0]],
                                  ssems[k]).wait()
        plsc.subcore_barrier()
        pltpu.sync_copy(
            acc_sh.at[pl.ds(s * ROWS_PER_TILE, ROWS_PER_TILE)],
            out_hbm.at[c, pl.ds(s * ROWS_PER_TILE, ROWS_PER_TILE)],
        )

    return agg_kernel(g, src_r, dst_r)


def _dot1(a, b):
    return jnp.dot(a.astype(jnp.bfloat16), b.astype(jnp.bfloat16),
                   preferred_element_type=jnp.float32)


def _first_body(xp_ref, degp_ref, w1p_ref, g1_ref, dp_ref):
    d2 = degp_ref[0] + degp_ref[1]
    di16 = 1.0 / jnp.sqrt(d2 + 1.0)
    dinvp = jnp.concatenate(
        [jnp.broadcast_to(di16[:, 0:1], (BRP, HID)),
         jnp.broadcast_to(di16[:, DEGW:DEGW + 1], (BRP, HID))], axis=1)
    h = _dot1(xp_ref[...], w1p_ref[...])
    g1_ref[...] = h * dinvp
    dp_ref[...] = dinvp


def _tc_first(xp, degp, W1p):
    return pl.pallas_call(
        _first_body,
        grid=(NH // BRP,),
        in_specs=[
            pl.BlockSpec((BRP, 256), lambda i: (i, 0)),
            pl.BlockSpec((NC, BRP, 2 * DEGW), lambda i: (0, i, 0)),
            pl.BlockSpec((256, 128), lambda i: (0, 0)),
        ],
        out_specs=[
            pl.BlockSpec((BRP, 128), lambda i: (i, 0)),
            pl.BlockSpec((BRP, 128), lambda i: (i, 0)),
        ],
        out_shape=[
            jax.ShapeDtypeStruct((NH, 128), jnp.float32),
            jax.ShapeDtypeStruct((NH, 128), jnp.float32),
        ],
    )(xp, degp, W1p)


NH = NPAD // 2
BRP = BR // 2


def _mid_body(p_ref, g1_ref, dp_ref, w22_ref, b1_ref, out_ref):
    dp = dp_ref[...]
    pp = p_ref[0] + p_ref[1] + g1_ref[...]
    t = jnp.maximum(pp * dp + b1_ref[...], 0.0)
    g2 = _dot1(t, w22_ref[...]) * dp
    row = pl.program_id(0) * BRP + lax.broadcasted_iota(jnp.int32, (BRP, 1), 0)
    out_ref[...] = jnp.where(row < NNODES // 2, g2, 0.0)


def _tc_mid(p128, g1p, dinvp, W22, b1p):
    return pl.pallas_call(
        _mid_body,
        grid=(NH // BRP,),
        in_specs=[
            pl.BlockSpec((NC, BRP, 128), lambda i: (0, i, 0)),
            pl.BlockSpec((BRP, 128), lambda i: (i, 0)),
            pl.BlockSpec((BRP, 128), lambda i: (i, 0)),
            pl.BlockSpec((128, 128), lambda i: (0, 0)),
            pl.BlockSpec((1, 128), lambda i: (0, 0)),
        ],
        out_specs=pl.BlockSpec((BRP, 128), lambda i: (i, 0)),
        out_shape=jax.ShapeDtypeStruct((NH, 128), jnp.float32),
    )(p128, g1p, dinvp, W22, b1p)


def _final_body(q_ref, g2_ref, dp_ref, b2_ref, w3_ref, b3_ref, out_ref):
    qq = q_ref[0] + q_ref[1] + g2_ref[...]
    t = jnp.maximum(qq * dp_ref[...] + b2_ref[...], 0.0)
    tb = t.astype(jnp.bfloat16).astype(jnp.float32)
    wb = w3_ref[...].astype(jnp.bfloat16).astype(jnp.float32)
    m = tb * wb
    o_lo = jnp.sum(m[:, :HID], axis=1, keepdims=True)
    o_hi = jnp.sum(m[:, HID:], axis=1, keepdims=True)
    out_ref[...] = jnp.concatenate([o_lo, o_hi], axis=1) + b3_ref[0, 0]


def _tc_final(q128, g2p, dinvp, b2p, w3p, b3r):
    return pl.pallas_call(
        _final_body,
        grid=(NH // BRP,),
        in_specs=[
            pl.BlockSpec((NC, BRP, 128), lambda i: (0, i, 0)),
            pl.BlockSpec((BRP, 128), lambda i: (i, 0)),
            pl.BlockSpec((BRP, 128), lambda i: (i, 0)),
            pl.BlockSpec((1, 128), lambda i: (0, 0)),
            pl.BlockSpec((1, 128), lambda i: (0, 0)),
            pl.BlockSpec((1, 128), lambda i: (0, 0)),
        ],
        out_specs=pl.BlockSpec((BRP, 2), lambda i: (i, 0)),
        out_shape=jax.ShapeDtypeStruct((NH, 2), jnp.float32),
    )(q128, g2p, dinvp, b2p, w3p, b3r)


def kernel(x, edge_index, W1, b1, W2, b2, W3, b3):
    n, _ = x.shape
    e = edge_index.shape[1]
    ep = jnp.pad(edge_index, ((0, 0), (0, EPAD - e)), constant_values=n)
    src_r = ep[0].reshape(NC, NS, CH_PER_TILE, CHUNK)
    dst_r = ep[1].reshape(NC, NS, CH_PER_TILE, CHUNK)

    const8 = jnp.stack([jnp.ones((CHUNK, DEGW), jnp.float32),
                        jnp.zeros((CHUNK, DEGW), jnp.float32)])
    w3row = W3.reshape(1, HID)
    w3p = jnp.concatenate([w3row, w3row], axis=1)
    b1p = jnp.concatenate([b1, b1]).reshape(1, 128)
    b2p = jnp.concatenate([b2, b2]).reshape(1, 128)
    b3r = jnp.broadcast_to(b3.reshape(1, 1), (1, 128))
    W22 = jnp.zeros((128, 128), jnp.float32)
    W22 = W22.at[:HID, :HID].set(W2).at[HID:, HID:].set(W2)

    W1p = jnp.zeros((256, 128), jnp.float32)
    W1p = W1p.at[:128, :HID].set(W1).at[128:, HID:].set(W1)
    xp = jnp.pad(x, ((0, NPAD - n), (0, 0))).reshape(NH, 256)

    deg2 = _sc_degree(dst_r, const8)
    g1p, dinvp = _tc_first(xp, deg2.reshape(NC, NH, 2 * DEGW), W1p)
    p = _sc_aggregate(g1p.reshape(NPAD, HID), src_r, dst_r)
    g2p = _tc_mid(p.reshape(NC, NH, 128), g1p, dinvp, W22, b1p)
    q = _sc_aggregate(g2p.reshape(NPAD, HID), src_r, dst_r)
    res = _tc_final(q.reshape(NC, NH, 128), g2p, dinvp, b2p, w3p, b3r)
    return res.reshape(-1)[:n]

# --- scband reference (transcript-rebuilt; emitter-appended) ---
"""Pipeline reference for scband-attack-gcn-1975684956787 (READ-ONLY COPY).

The authoritative reference and input builder live on the scoring server;
editing this copy changes nothing except your own understanding.
"""

import jax, jax.numpy as jnp
import numpy as np

N = 10000
E = 320000
D = 128
H = 64


def setup_inputs(seed: int = 0) -> dict:
    key = jax.random.key(seed)
    ks = jax.random.split(key, 10)
    x = jax.random.normal(ks[0], (N, D), dtype=jnp.float32)
    edge_index = jax.random.randint(ks[1], (2, E), 0, N, dtype=jnp.int32)
    # GCNConv1 params (PyG GCNConv: linear without bias applied first, bias added after aggregation)
    W1 = jax.random.normal(ks[2], (D, H), dtype=jnp.float32) * (1.0 / np.sqrt(D))
    b1 = jnp.zeros((H,), dtype=jnp.float32)
    W2 = jax.random.normal(ks[3], (H, H), dtype=jnp.float32) * (1.0 / np.sqrt(H))
    b2 = jnp.zeros((H,), dtype=jnp.float32)
    # final Linear(hidden, 1)
    W3 = jax.random.normal(ks[4], (H, 1), dtype=jnp.float32) * (1.0 / np.sqrt(H))
    b3 = jnp.zeros((1,), dtype=jnp.float32)
    return {"x": x, "edge_index": edge_index, "W1": W1, "b1": b1, "W2": W2, "b2": b2, "W3": W3, "b3": b3}


def _gcn_conv(h, src, dst, W, b, n_nodes):
    # PyG GCNConv with add_self_loops=True and symmetric normalization
    h = h @ W
    deg = jax.ops.segment_sum(jnp.ones_like(dst, dtype=h.dtype), dst, num_segments=n_nodes)
    dinv = jnp.where(deg > 0, 1.0 / jnp.sqrt(deg), 0.0)
    norm = dinv[src] * dinv[dst]
    msg = h[src] * norm[:, None]
    out = jax.ops.segment_sum(msg, dst, num_segments=n_nodes)
    return out + b


def reference(x, edge_index, W1, b1, W2, b2, W3, b3):
    n_nodes = x.shape[0]
    loop = jnp.arange(n_nodes, dtype=edge_index.dtype)
    src = jnp.concatenate([edge_index[0], loop])
    dst = jnp.concatenate([edge_index[1], loop])
    h = _gcn_conv(x, src, dst, W1, b1, n_nodes)
    h = jax.nn.relu(h)
    # dropout p=0.4 is identity in eval mode
    h = _gcn_conv(h, src, dst, W2, b2, n_nodes)
    h = jax.nn.relu(h)
    out = h @ W3 + b3
    return out.reshape(-1)

if __name__ == "__main__":
    import jax
    _d = setup_inputs()
    print(jax.jit(kernel)(*tuple(_d.values())))

</pallas_src>

<mosaic_0001>
#map = affine_map<(d0, d1) -> (0, 0)>
#map1 = affine_map<(d0, d1) -> (0, 0, 0, 0)>
#map2 = affine_map<(d0, d1) -> (0, 0, 0)>
module attributes {stable_mosaic.version = 14 : i64} {
  func.func @agg_kernel(%arg0: i32, %arg1: i32, %arg2: memref<10240x64xf32, #tpu.memory_space<hbm>>, %arg3: memref<2x16x80x128xi32, #tpu.memory_space<hbm>>, %arg4: memref<2x16x80x128xi32, #tpu.memory_space<hbm>>, %arg5: memref<2x10240x64xf32, #tpu.memory_space<hbm>>, %arg6: memref<80x128xi32, #tpu.memory_space<vmem>>, %arg7: memref<80x128xi32, #tpu.memory_space<vmem>>, %arg8: memref<128x64xf32, #tpu.memory_space<vmem>>, %arg9: memref<128x64xf32, #tpu.memory_space<vmem>>, %arg10: memref<128x64xf32, #tpu.memory_space<vmem>>, %arg11: memref<10240x64xf32, #tpu.memory_space<vmem_shared>>, %arg12: memref<10240x64xf32, #tpu.memory_space<vmem_shared>>, %arg13: memref<!tpu.dma_semaphore, #tpu.memory_space<semaphore_mem>>, %arg14: memref<!tpu.dma_semaphore, #tpu.memory_space<semaphore_mem>>, %arg15: memref<!tpu.dma_semaphore, #tpu.memory_space<semaphore_mem>>, %arg16: memref<!tpu.dma_semaphore, #tpu.memory_space<semaphore_mem>>) attributes {dimension_semantics = [#tpu.dimension_semantics<core_parallel>, #tpu.dimension_semantics<subcore_parallel>], iteration_bounds = array<i64: 2, 16>, scalar_prefetch = 0 : i64, scratch_operands = 11 : i64, tpu.core_type = #tpu.core_type<sc_vector_subcore>, window_params = [{transform_indices = #map}, {transform_indices = #map1}, {transform_indices = #map1}, {transform_indices = #map2}]} {
    %scan3A = arith.constant 0 : i32
    %scan3A_0 = arith.constant 0 : i32
    %scan3A_1 = arith.constant 128 : i32
    %scan3A_2 = arith.addi %scan3A_0, %scan3A_1 : i32
    %scan3A_3 = arith.constant 1 : i32
    scf.for %scan3A_51 = %scan3A_0 to %scan3A_2 step %scan3A_3  : i32 {
      %broadcast_in_dim3A = arith.constant 0.000000e+00 : f32
      %broadcast_in_dim3A_52 = vector.broadcast %broadcast_in_dim3A : f32 to vector<16xf32>
      %swap3A = arith.index_cast %scan3A_51 : i32 to index
      %swap3A_53 = arith.constant 0 : index
      %swap3A_54 = tpu.vector_load %arg10[%swap3A, %swap3A_53] {strides = array<i32>} : memref<128x64xf32, #tpu.memory_space<vmem>>, vector<1x16xf32>,
      %swap3A_55 = vector.shape_cast %swap3A_54 : vector<1x16xf32> to vector<16xf32>
      %swap3A_56 = vector.shape_cast %broadcast_in_dim3A_52 : vector<16xf32> to vector<1x16xf32>
      tpu.vector_store %arg10[%swap3A, %swap3A_53], %swap3A_56 {strides = array<i32>} : memref<128x64xf32, #tpu.memory_space<vmem>>, vector<1x16xf32>,
      %broadcast_in_dim3A_57 = arith.constant 0.000000e+00 : f32
      %broadcast_in_dim3A_58 = vector.broadcast %broadcast_in_dim3A_57 : f32 to vector<16xf32>
      %swap3A_59 = arith.index_cast %scan3A_51 : i32 to index
      %swap3A_60 = arith.constant 16 : index
      %swap3A_61 = tpu.vector_load %arg10[%swap3A_59, %swap3A_60] {strides = array<i32>} : memref<128x64xf32, #tpu.memory_space<vmem>>, vector<1x16xf32>,
      %swap3A_62 = vector.shape_cast %swap3A_61 : vector<1x16xf32> to vector<16xf32>
      %swap3A_63 = vector.shape_cast %broadcast_in_dim3A_58 : vector<16xf32> to vector<1x16xf32>
      tpu.vector_store %arg10[%swap3A_59, %swap3A_60], %swap3A_63 {strides = array<i32>} : memref<128x64xf32, #tpu.memory_space<vmem>>, vector<1x16xf32>,
      %broadcast_in_dim3A_64 = arith.constant 0.000000e+00 : f32
      %broadcast_in_dim3A_65 = vector.broadcast %broadcast_in_dim3A_64 : f32 to vector<16xf32>
      %swap3A_66 = arith.index_cast %scan3A_51 : i32 to index
      %swap3A_67 = arith.constant 32 : index
      %swap3A_68 = tpu.vector_load %arg10[%swap3A_66, %swap3A_67] {strides = array<i32>} : memref<128x64xf32, #tpu.memory_space<vmem>>, vector<1x16xf32>,
      %swap3A_69 = vector.shape_cast %swap3A_68 : vector<1x16xf32> to vector<16xf32>
      %swap3A_70 = vector.shape_cast %broadcast_in_dim3A_65 : vector<16xf32> to vector<1x16xf32>
      tpu.vector_store %arg10[%swap3A_66, %swap3A_67], %swap3A_70 {strides = array<i32>} : memref<128x64xf32, #tpu.memory_space<vmem>>, vector<1x16xf32>,
      %broadcast_in_dim3A_71 = arith.constant 0.000000e+00 : f32
      %broadcast_in_dim3A_72 = vector.broadcast %broadcast_in_dim3A_71 : f32 to vector<16xf32>
      %swap3A_73 = arith.index_cast %scan3A_51 : i32 to index
      %swap3A_74 = arith.constant 48 : index
      %swap3A_75 = tpu.vector_load %arg10[%swap3A_73, %swap3A_74] {strides = array<i32>} : memref<128x64xf32, #tpu.memory_space<vmem>>, vector<1x16xf32>,
      %swap3A_76 = vector.shape_cast %swap3A_75 : vector<1x16xf32> to vector<16xf32>
      %swap3A_77 = vector.shape_cast %broadcast_in_dim3A_72 : vector<16xf32> to vector<1x16xf32>
      tpu.vector_store %arg10[%swap3A_73, %swap3A_74], %swap3A_77 {strides = array<i32>} : memref<128x64xf32, #tpu.memory_space<vmem>>, vector<1x16xf32>,
    }
    %scan3A_4 = arith.constant 128 : i32
    %mul3A = arith.constant 640 : i32
    %mul3A_5 = arith.muli %arg1, %mul3A : i32
    %add3A = arith.constant 0 : i32
    %add3A_6 = arith.addi %mul3A_5, %add3A : i32
    "tpu.region"() ({
      %run_scoped3A = tpu.sem_alloc : memref<!tpu.dma_semaphore, #tpu.memory_space<semaphore_mem>>
      %dma_start3A = arith.constant 0 : i32
      %dma_start3A_51 = tpu.memref_slice %arg11[%add3A_6, %dma_start3A] : memref<10240x64xf32, #tpu.memory_space<vmem_shared>> -> memref<128x64xf32, #tpu.memory_space<vmem_shared>>
      %dma_start3A_52 = arith.constant 0 : i32
      %dma_start3A_53 = tpu.memref_slice %arg11[%add3A_6, %dma_start3A_52] : memref<10240x64xf32, #tpu.memory_space<vmem_shared>> -> memref<128x64xf32, #tpu.memory_space<vmem_shared>>
      tpu.enqueue_dma source(%arg10 : memref<128x64xf32, #tpu.memory_space<vmem>>) target(%dma_start3A_53 : memref<128x64xf32, #tpu.memory_space<vmem_shared>>) target_semaphore(%run_scoped3A : memref<!tpu.dma_semaphore, #tpu.memory_space<semaphore_mem>>)
      %dma_wait3A_54 = arith.constant 0 : i32
      %dma_wait3A_55 = tpu.memref_slice %arg11[%add3A_6, %dma_wait3A_54] : memref<10240x64xf32, #tpu.memory_space<vmem_shared>> -> memref<128x64xf32, #tpu.memory_space<vmem_shared>>
      %dma_wait3A_56 = arith.constant 0 : i32
      %dma_wait3A_57 = tpu.memref_slice %arg11[%add3A_6, %dma_wait3A_56] : memref<10240x64xf32, #tpu.memory_space<vmem_shared>> -> memref<128x64xf32, #tpu.memory_space<vmem_shared>>
      tpu.wait_dma2 semaphore(%run_scoped3A : memref<!tpu.dma_semaphore, #tpu.memory_space<semaphore_mem>>) src(%arg10 : memref<128x64xf32, #tpu.memory_space<vmem>>) dst(%dma_wait3A_57 : memref<128x64xf32, #tpu.memory_space<vmem_shared>>)
      tpu.yield
    }) : () -> ()
    %mul3A_7 = arith.constant 640 : i32
    %mul3A_8 = arith.muli %arg1, %mul3A_7 : i32
    %add3A_9 = arith.constant 128 : i32
    %add3A_10 = arith.addi %mul3A_8, %add3A_9 : i32
    "tpu.region"() ({
      %run_scoped3A = tpu.sem_alloc : memref<!tpu.dma_semaphore, #tpu.memory_space<semaphore_mem>>
      %dma_start3A = arith.constant 0 : i32
      %dma_start3A_51 = tpu.memref_slice %arg11[%add3A_10, %dma_start3A] : memref<10240x64xf32, #tpu.memory_space<vmem_shared>> -> memref<128x64xf32, #tpu.memory_space<vmem_shared>>
      %dma_start3A_52 = arith.constant 0 : i32
      %dma_start3A_53 = tpu.memref_slice %arg11[%add3A_10, %dma_start3A_52] : memref<10240x64xf32, #tpu.memory_space<vmem_shared>> -> memref<128x64xf32, #tpu.memory_space<vmem_shared>>
      tpu.enqueue_dma source(%arg10 : memref<128x64xf32, #tpu.memory_space<vmem>>) target(%dma_start3A_53 : memref<128x64xf32, #tpu.memory_space<vmem_shared>>) target_semaphore(%run_scoped3A : memref<!tpu.dma_semaphore, #tpu.memory_space<semaphore_mem>>)
      %dma_wait3A_54 = arith.constant 0 : i32
      %dma_wait3A_55 = tpu.memref_slice %arg11[%add3A_10, %dma_wait3A_54] : memref<10240x64xf32, #tpu.memory_space<vmem_shared>> -> memref<128x64xf32, #tpu.memory_space<vmem_shared>>
      %dma_wait3A_56 = arith.constant 0 : i32
      %dma_wait3A_57 = tpu.memref_slice %arg11[%add3A_10, %dma_wait3A_56] : memref<10240x64xf32, #tpu.memory_space<vmem_shared>> -> memref<128x64xf32, #tpu.memory_space<vmem_shared>>
      tpu.wait_dma2 semaphore(%run_scoped3A : memref<!tpu.dma_semaphore, #tpu.memory_space<semaphore_mem>>) src(%arg10 : memref<128x64xf32, #tpu.memory_space<vmem>>) dst(%dma_wait3A_57 : memref<128x64xf32, #tpu.memory_space<vmem_shared>>)
      tpu.yield
    }) : () -> ()
    %mul3A_11 = arith.constant 640 : i32
    %mul3A_12 = arith.muli %arg1, %mul3A_11 : i32
    %add3A_13 = arith.constant 256 : i32
    %add3A_14 = arith.addi %mul3A_12, %add3A_13 : i32
    "tpu.region"() ({
      %run_scoped3A = tpu.sem_alloc : memref<!tpu.dma_semaphore, #tpu.memory_space<semaphore_mem>>
      %dma_start3A = arith.constant 0 : i32
      %dma_start3A_51 = tpu.memref_slice %arg11[%add3A_14, %dma_start3A] : memref<10240x64xf32, #tpu.memory_space<vmem_shared>> -> memref<128x64xf32, #tpu.memory_space<vmem_shared>>
      %dma_start3A_52 = arith.constant 0 : i32
      %dma_start3A_53 = tpu.memref_slice %arg11[%add3A_14, %dma_start3A_52] : memref<10240x64xf32, #tpu.memory_space<vmem_shared>> -> memref<128x64xf32, #tpu.memory_space<vmem_shared>>
      tpu.enqueue_dma source(%arg10 : memref<128x64xf32, #tpu.memory_space<vmem>>) target(%dma_start3A_53 : memref<128x64xf32, #tpu.memory_space<vmem_shared>>) target_semaphore(%run_scoped3A : memref<!tpu.dma_semaphore, #tpu.memory_space<semaphore_mem>>)
      %dma_wait3A_54 = arith.constant 0 : i32
      %dma_wait3A_55 = tpu.memref_slice %arg11[%add3A_14, %dma_wait3A_54] : memref<10240x64xf32, #tpu.memory_space<vmem_shared>> -> memref<128x64xf32, #tpu.memory_space<vmem_shared>>
      %dma_wait3A_56 = arith.constant 0 : i32
      %dma_wait3A_57 = tpu.memref_slice %arg11[%add3A_14, %dma_wait3A_56] : memref<10240x64xf32, #tpu.memory_space<vmem_shared>> -> memref<128x64xf32, #tpu.memory_space<vmem_shared>>
      tpu.wait_dma2 semaphore(%run_scoped3A : memref<!tpu.dma_semaphore, #tpu.memory_space<semaphore_mem>>) src(%arg10 : memref<128x64xf32, #tpu.memory_space<vmem>>) dst(%dma_wait3A_57 : memref<128x64xf32, #tpu.memory_space<vmem_shared>>)
      tpu.yield
    }) : () -> ()
    %mul3A_15 = arith.constant 640 : i32
    %mul3A_16 = arith.muli %arg1, %mul3A_15 : i32
    %add3A_17 = arith.constant 384 : i32
    %add3A_18 = arith.addi %mul3A_16, %add3A_17 : i32
    "tpu.region"() ({
      %run_scoped3A = tpu.sem_alloc : memref<!tpu.dma_semaphore, #tpu.memory_space<semaphore_mem>>
      %dma_start3A = arith.constant 0 : i32
      %dma_start3A_51 = tpu.memref_slice %arg11[%add3A_18, %dma_start3A] : memref<10240x64xf32, #tpu.memory_space<vmem_shared>> -> memref<128x64xf32, #tpu.memory_space<vmem_shared>>
      %dma_start3A_52 = arith.constant 0 : i32
      %dma_start3A_53 = tpu.memref_slice %arg11[%add3A_18, %dma_start3A_52] : memref<10240x64xf32, #tpu.memory_space<vmem_shared>> -> memref<128x64xf32, #tpu.memory_space<vmem_shared>>
      tpu.enqueue_dma source(%arg10 : memref<128x64xf32, #tpu.memory_space<vmem>>) target(%dma_start3A_53 : memref<128x64xf32, #tpu.memory_space<vmem_shared>>) target_semaphore(%run_scoped3A : memref<!tpu.dma_semaphore, #tpu.memory_space<semaphore_mem>>)
      %dma_wait3A_54 = arith.constant 0 : i32
      %dma_wait3A_55 = tpu.memref_slice %arg11[%add3A_18, %dma_wait3A_54] : memref<10240x64xf32, #tpu.memory_space<vmem_shared>> -> memref<128x64xf32, #tpu.memory_space<vmem_shared>>
      %dma_wait3A_56 = arith.constant 0 : i32
      %dma_wait3A_57 = tpu.memref_slice %arg11[%add3A_18, %dma_wait3A_56] : memref<10240x64xf32, #tpu.memory_space<vmem_shared>> -> memref<128x64xf32, #tpu.memory_space<vmem_shared>>
      tpu.wait_dma2 semaphore(%run_scoped3A : memref<!tpu.dma_semaphore, #tpu.memory_space<semaphore_mem>>) src(%arg10 : memref<128x64xf32, #tpu.memory_space<vmem>>) dst(%dma_wait3A_57 : memref<128x64xf32, #tpu.memory_space<vmem_shared>>)
      tpu.yield
    }) : () -> ()
    %mul3A_19 = arith.constant 640 : i32
    %mul3A_20 = arith.muli %arg1, %mul3A_19 : i32
    %add3A_21 = arith.constant 512 : i32
    %add3A_22 = arith.addi %mul3A_20, %add3A_21 : i32
    "tpu.region"() ({
      %run_scoped3A = tpu.sem_alloc : memref<!tpu.dma_semaphore, #tpu.memory_space<semaphore_mem>>
      %dma_start3A = arith.constant 0 : i32
      %dma_start3A_51 = tpu.memref_slice %arg11[%add3A_22, %dma_start3A] : memref<10240x64xf32, #tpu.memory_space<vmem_shared>> -> memref<128x64xf32, #tpu.memory_space<vmem_shared>>
      %dma_start3A_52 = arith.constant 0 : i32
      %dma_start3A_53 = tpu.memref_slice %arg11[%add3A_22, %dma_start3A_52] : memref<10240x64xf32, #tpu.memory_space<vmem_shared>> -> memref<128x64xf32, #tpu.memory_space<vmem_shared>>
      tpu.enqueue_dma source(%arg10 : memref<128x64xf32, #tpu.memory_space<vmem>>) target(%dma_start3A_53 : memref<128x64xf32, #tpu.memory_space<vmem_shared>>) target_semaphore(%run_scoped3A : memref<!tpu.dma_semaphore, #tpu.memory_space<semaphore_mem>>)
      %dma_wait3A_54 = arith.constant 0 : i32
      %dma_wait3A_55 = tpu.memref_slice %arg11[%add3A_22, %dma_wait3A_54] : memref<10240x64xf32, #tpu.memory_space<vmem_shared>> -> memref<128x64xf32, #tpu.memory_space<vmem_shared>>
      %dma_wait3A_56 = arith.constant 0 : i32
      %dma_wait3A_57 = tpu.memref_slice %arg11[%add3A_22, %dma_wait3A_56] : memref<10240x64xf32, #tpu.memory_space<vmem_shared>> -> memref<128x64xf32, #tpu.memory_space<vmem_shared>>
      tpu.wait_dma2 semaphore(%run_scoped3A : memref<!tpu.dma_semaphore, #tpu.memory_space<semaphore_mem>>) src(%arg10 : memref<128x64xf32, #tpu.memory_space<vmem>>) dst(%dma_wait3A_57 : memref<128x64xf32, #tpu.memory_space<vmem_shared>>)
      tpu.yield
    }) : () -> ()
    %mul3A_23 = arith.constant 640 : i32
    %mul3A_24 = arith.muli %arg1, %mul3A_23 : i32
    %mul3A_25 = arith.constant 640 : i32
    %mul3A_26 = arith.muli %arg1, %mul3A_25 : i32
    "tpu.region"() ({
      %run_scoped3A = tpu.sem_alloc : memref<!tpu.dma_semaphore, #tpu.memory_space<semaphore_mem>>
      %dma_start3A = arith.constant 0 : i32
      %dma_start3A_51 = tpu.memref_slice %arg12[%mul3A_26, %dma_start3A] : memref<10240x64xf32, #tpu.memory_space<vmem_shared>> -> memref<640x64xf32, #tpu.memory_space<vmem_shared>>
      %dma_start3A_52 = arith.constant 0 : i32
      %dma_start3A_53 = tpu.memref_slice %arg2[%mul3A_24, %dma_start3A_52] : memref<10240x64xf32, #tpu.memory_space<hbm>> -> memref<640x64xf32, #tpu.memory_space<hbm>>
      tpu.enqueue_dma source(%dma_start3A_53 : memref<640x64xf32, #tpu.memory_space<hbm>>) target(%dma_start3A_51 : memref<640x64xf32, #tpu.memory_space<vmem_shared>>) target_semaphore(%run_scoped3A : memref<!tpu.dma_semaphore, #tpu.memory_space<semaphore_mem>>)
      %dma_wait3A_54 = arith.constant 0 : i32
      %dma_wait3A_55 = tpu.memref_slice %arg12[%mul3A_26, %dma_wait3A_54] : memref<10240x64xf32, #tpu.memory_space<vmem_shared>> -> memref<640x64xf32, #tpu.memory_space<vmem_shared>>
      %dma_wait3A_56 = arith.constant 0 : i32
      %dma_wait3A_57 = tpu.memref_slice %arg2[%mul3A_24, %dma_wait3A_56] : memref<10240x64xf32, #tpu.memory_space<hbm>> -> memref<640x64xf32, #tpu.memory_space<hbm>>
      tpu.wait_dma2 semaphore(%run_scoped3A : memref<!tpu.dma_semaphore, #tpu.memory_space<semaphore_mem>>) src(%dma_wait3A_57 : memref<640x64xf32, #tpu.memory_space<hbm>>) dst(%dma_wait3A_55 : memref<640x64xf32, #tpu.memory_space<vmem_shared>>)
      tpu.yield
    }) : () -> ()
    %barrier3A = arith.constant 0 : index
    tpu.barrier barrier_id(%barrier3A)
    "tpu.region"() ({
      %run_scoped3A = tpu.sem_alloc : memref<!tpu.dma_semaphore, #tpu.memory_space<semaphore_mem>>
      %dma_start3A = arith.constant 0 : i32
      %dma_start3A_51 = arith.constant 0 : i32
      %dma_start3A_52 = tpu.memref_slice %arg3[%arg0, %arg1, %dma_start3A, %dma_start3A_51] : memref<2x16x80x128xi32, #tpu.memory_space<hbm>> -> memref<1x1x80x128xi32, #tpu.memory_space<hbm>>
      %dma_start3A_53 = tpu.memref_squeeze %dma_start3A_52 : memref<1x1x80x128xi32, #tpu.memory_space<hbm>> -> memref<80x128xi32, #tpu.memory_space<hbm>>
      %dma_start3A_54 = arith.constant 0 : i32
      %dma_start3A_55 = arith.constant 0 : i32
      %dma_start3A_56 = tpu.memref_slice %arg3[%arg0, %arg1, %dma_start3A_54, %dma_start3A_55] : memref<2x16x80x128xi32, #tpu.memory_space<hbm>> -> memref<1x1x80x128xi32, #tpu.memory_space<hbm>>
      %dma_start3A_57 = tpu.memref_squeeze %dma_start3A_56 : memref<1x1x80x128xi32, #tpu.memory_space<hbm>> -> memref<80x128xi32, #tpu.memory_space<hbm>>
      tpu.enqueue_dma source(%dma_start3A_57 : memref<80x128xi32, #tpu.memory_space<hbm>>) target(%arg6 : memref<80x128xi32, #tpu.memory_space<vmem>>) target_semaphore(%run_scoped3A : memref<!tpu.dma_semaphore, #tpu.memory_space<semaphore_mem>>)
      %dma_wait3A_58 = arith.constant 0 : i32
      %dma_wait3A_59 = arith.constant 0 : i32
      %dma_wait3A_60 = tpu.memref_slice %arg3[%arg0, %arg1, %dma_wait3A_58, %dma_wait3A_59] : memref<2x16x80x128xi32, #tpu.memory_space<hbm>> -> memref<1x1x80x128xi32, #tpu.memory_space<hbm>>
      %dma_wait3A_61 = tpu.memref_squeeze %dma_wait3A_60 : memref<1x1x80x128xi32, #tpu.memory_space<hbm>> -> memref<80x128xi32, #tpu.memory_space<hbm>>
      %dma_wait3A_62 = arith.constant 0 : i32
      %dma_wait3A_63 = arith.constant 0 : i32
      %dma_wait3A_64 = tpu.memref_slice %arg3[%arg0, %arg1, %dma_wait3A_62, %dma_wait3A_63] : memref<2x16x80x128xi32, #tpu.memory_space<hbm>> -> memref<1x1x80x128xi32, #tpu.memory_space<hbm>>
      %dma_wait3A_65 = tpu.memref_squeeze %dma_wait3A_64 : memref<1x1x80x128xi32, #tpu.memory_space<hbm>> -> memref<80x128xi32, #tpu.memory_space<hbm>>
      tpu.wait_dma2 semaphore(%run_scoped3A : memref<!tpu.dma_semaphore, #tpu.memory_space<semaphore_mem>>) src(%dma_wait3A_65 : memref<80x128xi32, #tpu.memory_space<hbm>>) dst(%arg6 : memref<80x128xi32, #tpu.memory_space<vmem>>)
      tpu.yield
    }) : () -> ()
    "tpu.region"() ({
      %run_scoped3A = tpu.sem_alloc : memref<!tpu.dma_semaphore, #tpu.memory_space<semaphore_mem>>
      %dma_start3A = arith.constant 0 : i32
      %dma_start3A_51 = arith.constant 0 : i32
      %dma_start3A_52 = tpu.memref_slice %arg4[%arg0, %arg1, %dma_start3A, %dma_start3A_51] : memref<2x16x80x128xi32, #tpu.memory_space<hbm>> -> memref<1x1x80x128xi32, #tpu.memory_space<hbm>>
      %dma_start3A_53 = tpu.memref_squeeze %dma_start3A_52 : memref<1x1x80x128xi32, #tpu.memory_space<hbm>> -> memref<80x128xi32, #tpu.memory_space<hbm>>
      %dma_start3A_54 = arith.constant 0 : i32
      %dma_start3A_55 = arith.constant 0 : i32
      %dma_start3A_56 = tpu.memref_slice %arg4[%arg0, %arg1, %dma_start3A_54, %dma_start3A_55] : memref<2x16x80x128xi32, #tpu.memory_space<hbm>> -> memref<1x1x80x128xi32, #tpu.memory_space<hbm>>
      %dma_start3A_57 = tpu.memref_squeeze %dma_start3A_56 : memref<1x1x80x128xi32, #tpu.memory_space<hbm>> -> memref<80x128xi32, #tpu.memory_space<hbm>>
      tpu.enqueue_dma source(%dma_start3A_57 : memref<80x128xi32, #tpu.memory_space<hbm>>) target(%arg7 : memref<80x128xi32, #tpu.memory_space<vmem>>) target_semaphore(%run_scoped3A : memref<!tpu.dma_semaphore, #tpu.memory_space<semaphore_mem>>)
      %dma_wait3A_58 = arith.constant 0 : i32
      %dma_wait3A_59 = arith.constant 0 : i32
      %dma_wait3A_60 = tpu.memref_slice %arg4[%arg0, %arg1, %dma_wait3A_58, %dma_wait3A_59] : memref<2x16x80x128xi32, #tpu.memory_space<hbm>> -> memref<1x1x80x128xi32, #tpu.memory_space<hbm>>
      %dma_wait3A_61 = tpu.memref_squeeze %dma_wait3A_60 : memref<1x1x80x128xi32, #tpu.memory_space<hbm>> -> memref<80x128xi32, #tpu.memory_space<hbm>>
      %dma_wait3A_62 = arith.constant 0 : i32
      %dma_wait3A_63 = arith.constant 0 : i32
      %dma_wait3A_64 = tpu.memref_slice %arg4[%arg0, %arg1, %dma_wait3A_62, %dma_wait3A_63] : memref<2x16x80x128xi32, #tpu.memory_space<hbm>> -> memref<1x1x80x128xi32, #tpu.memory_space<hbm>>
      %dma_wait3A_65 = tpu.memref_squeeze %dma_wait3A_64 : memref<1x1x80x128xi32, #tpu.memory_space<hbm>> -> memref<80x128xi32, #tpu.memory_space<hbm>>
      tpu.wait_dma2 semaphore(%run_scoped3A : memref<!tpu.dma_semaphore, #tpu.memory_space<semaphore_mem>>) src(%dma_wait3A_65 : memref<80x128xi32, #tpu.memory_space<hbm>>) dst(%arg7 : memref<80x128xi32, #tpu.memory_space<vmem>>)
      tpu.yield
    }) : () -> ()
    %scan3A_27 = arith.constant 0 : i32
    %scan3A_28 = arith.constant 0 : i32
    %scan3A_29 = arith.constant 40 : i32
    %scan3A_30 = arith.addi %scan3A_28, %scan3A_29 : i32
    %scan3A_31 = arith.constant 1 : i32
    scf.for %scan3A_51 = %scan3A_28 to %scan3A_30 step %scan3A_31  : i32 {
      %mul3A_52 = arith.constant 2 : i32
      %mul3A_53 = arith.muli %mul3A_52, %scan3A_51 : i32
      %add3A_54 = arith.constant 0 : i32
      %add3A_55 = arith.addi %mul3A_53, %add3A_54 : i32
      %gt3A = arith.constant 0 : i32
      %gt3A_56 = arith.cmpi sgt, %scan3A_51, %gt3A : i32
      %convert_element_type3A = arith.extui %gt3A_56 : i1 to i32
      %cond3A = arith.constant 0 : i32
      %cond3A_57 = arith.cmpi ne, %convert_element_type3A, %cond3A : i32
      scf.if %cond3A_57 {
        %dma_wait3A_110 = arith.constant 0 : i32
        %dma_wait3A_111 = tpu.memref_slice %arg7[%add3A_55, %dma_wait3A_110] : memref<80x128xi32, #tpu.memory_space<vmem>> -> memref<1x128xi32, #tpu.memory_space<vmem>>
        %dma_wait3A_112 = tpu.memref_squeeze %dma_wait3A_111 : memref<1x128xi32, #tpu.memory_space<vmem>> -> memref<128xi32, #tpu.memory_space<vmem>>
        %dma_wait3A_113 = arith.constant 0 : i32
        %dma_wait3A_114 = arith.constant 0 : i32
        %dma_wait3A_115 = tpu.memref_slice %arg11[%dma_wait3A_113, %dma_wait3A_114] : memref<10240x64xf32, #tpu.memory_space<vmem_shared>> -> memref<10240x64xf32, #tpu.memory_space<vmem_shared>>
        tpu.wait_indirect_dma semaphore(%arg15 : memref<!tpu.dma_semaphore, #tpu.memory_space<semaphore_mem>>) src(%arg8 : memref<128x64xf32, #tpu.memory_space<vmem>>) dst(%dma_wait3A_115 : memref<10240x64xf32, #tpu.memory_space<vmem_shared>>)
      } else {
      }
      %dma_start3A = arith.constant 0 : i32
      %dma_start3A_58 = tpu.memref_slice %arg6[%add3A_55, %dma_start3A] : memref<80x128xi32, #tpu.memory_space<vmem>> -> memref<1x128xi32, #tpu.memory_space<vmem>>
      %dma_start3A_59 = tpu.memref_squeeze %dma_start3A_58 : memref<1x128xi32, #tpu.memory_space<vmem>> -> memref<128xi32, #tpu.memory_space<vmem>>
      %dma_start3A_60 = arith.constant 0 : i32
      %dma_start3A_61 = arith.constant 0 : i32
      %dma_start3A_62 = tpu.memref_slice %arg12[%dma_start3A_60, %dma_start3A_61] : memref<10240x64xf32, #tpu.memory_space<vmem_shared>> -> memref<10240x64xf32, #tpu.memory_space<vmem_shared>>
      tpu.enqueue_indirect_dma source(%dma_start3A_62 : memref<10240x64xf32, #tpu.memory_space<vmem_shared>>) target(%arg8 : memref<128x64xf32, #tpu.memory_space<vmem>>) offsets(%dma_start3A_59 : memref<128xi32, #tpu.memory_space<vmem>>) semaphore(%arg13 : memref<!tpu.dma_semaphore, #tpu.memory_space<semaphore_mem>>)
      %mul3A_63 = arith.constant 2 : i32
      %mul3A_64 = arith.muli %mul3A_63, %scan3A_51 : i32
      %add3A_65 = arith.constant 1 : i32
      %add3A_66 = arith.addi %mul3A_64, %add3A_65 : i32
      %gt3A_67 = arith.constant 0 : i32
      %gt3A_68 = arith.cmpi sgt, %scan3A_51, %gt3A_67 : i32
      %convert_element_type3A_69 = arith.extui %gt3A_68 : i1 to i32
      %cond3A_70 = arith.constant 0 : i32
      %cond3A_71 = arith.cmpi ne, %convert_element_type3A_69, %cond3A_70 : i32
      scf.if %cond3A_71 {
        %dma_wait3A_110 = arith.constant 0 : i32
        %dma_wait3A_111 = tpu.memref_slice %arg7[%add3A_66, %dma_wait3A_110] : memref<80x128xi32, #tpu.memory_space<vmem>> -> memref<1x128xi32, #tpu.memory_space<vmem>>
        %dma_wait3A_112 = tpu.memref_squeeze %dma_wait3A_111 : memref<1x128xi32, #tpu.memory_space<vmem>> -> memref<128xi32, #tpu.memory_space<vmem>>
        %dma_wait3A_113 = arith.constant 0 : i32
        %dma_wait3A_114 = arith.constant 0 : i32
        %dma_wait3A_115 = tpu.memref_slice %arg11[%dma_wait3A_113, %dma_wait3A_114] : memref<10240x64xf32, #tpu.memory_space<vmem_shared>> -> memref<10240x64xf32, #tpu.memory_space<vmem_shared>>
        tpu.wait_indirect_dma semaphore(%arg16 : memref<!tpu.dma_semaphore, #tpu.memory_space<semaphore_mem>>) src(%arg9 : memref<128x64xf32, #tpu.memory_space<vmem>>) dst(%dma_wait3A_115 : memref<10240x64xf32, #tpu.memory_space<vmem_shared>>)
      } else {
      }
      %dma_start3A_72 = arith.constant 0 : i32
      %dma_start3A_73 = tpu.memref_slice %arg6[%add3A_66, %dma_start3A_72] : memref<80x128xi32, #tpu.memory_space<vmem>> -> memref<1x128xi32, #tpu.memory_space<vmem>>
      %dma_start3A_74 = tpu.memref_squeeze %dma_start3A_73 : memref<1x128xi32, #tpu.memory_space<vmem>> -> memref<128xi32, #tpu.memory_space<vmem>>
      %dma_start3A_75 = arith.constant 0 : i32
      %dma_start3A_76 = arith.constant 0 : i32
      %dma_start3A_77 = tpu.memref_slice %arg12[%dma_start3A_75, %dma_start3A_76] : memref<10240x64xf32, #tpu.memory_space<vmem_shared>> -> memref<10240x64xf32, #tpu.memory_space<vmem_shared>>
      tpu.enqueue_indirect_dma source(%dma_start3A_77 : memref<10240x64xf32, #tpu.memory_space<vmem_shared>>) target(%arg9 : memref<128x64xf32, #tpu.memory_space<vmem>>) offsets(%dma_start3A_74 : memref<128xi32, #tpu.memory_space<vmem>>) semaphore(%arg14 : memref<!tpu.dma_semaphore, #tpu.memory_space<semaphore_mem>>)
      %mul3A_78 = arith.constant 2 : i32
      %mul3A_79 = arith.muli %mul3A_78, %scan3A_51 : i32
      %add3A_80 = arith.constant 0 : i32
      %add3A_81 = arith.addi %mul3A_79, %add3A_80 : i32
      %dma_wait3A_82 = arith.constant 0 : i32
      %dma_wait3A_83 = tpu.memref_slice %arg6[%add3A_81, %dma_wait3A_82] : memref<80x128xi32, #tpu.memory_space<vmem>> -> memref<1x128xi32, #tpu.memory_space<vmem>>
      %dma_wait3A_84 = tpu.memref_squeeze %dma_wait3A_83 : memref<1x128xi32, #tpu.memory_space<vmem>> -> memref<128xi32, #tpu.memory_space<vmem>>
      %dma_wait3A_85 = arith.constant 0 : i32
      %dma_wait3A_86 = arith.constant 0 : i32
      %dma_wait3A_87 = tpu.memref_slice %arg12[%dma_wait3A_85, %dma_wait3A_86] : memref<10240x64xf32, #tpu.memory_space<vmem_shared>> -> memref<10240x64xf32, #tpu.memory_space<vmem_shared>>
      tpu.wait_indirect_dma semaphore(%arg13 : memref<!tpu.dma_semaphore, #tpu.memory_space<semaphore_mem>>) src(%dma_wait3A_87 : memref<10240x64xf32, #tpu.memory_space<vmem_shared>>) dst(%arg8 : memref<128x64xf32, #tpu.memory_space<vmem>>)
      %dma_start3A_88 = arith.constant 0 : i32
      %dma_start3A_89 = tpu.memref_slice %arg7[%add3A_81, %dma_start3A_88] : memref<80x128xi32, #tpu.memory_space<vmem>> -> memref<1x128xi32, #tpu.memory_space<vmem>>
      %dma_start3A_90 = tpu.memref_squeeze %dma_start3A_89 : memref<1x128xi32, #tpu.memory_space<vmem>> -> memref<128xi32, #tpu.memory_space<vmem>>
      %dma_start3A_91 = arith.constant 0 : i32
      %dma_start3A_92 = arith.constant 0 : i32
      %dma_start3A_93 = tpu.memref_slice %arg11[%dma_start3A_91, %dma_start3A_92] : memref<10240x64xf32, #tpu.memory_space<vmem_shared>> -> memref<10240x64xf32, #tpu.memory_space<vmem_shared>>
      tpu.enqueue_indirect_dma source(%arg8 : memref<128x64xf32, #tpu.memory_space<vmem>>) target(%dma_start3A_93 : memref<10240x64xf32, #tpu.memory_space<vmem_shared>>) offsets(%dma_start3A_90 : memref<128xi32, #tpu.memory_space<vmem>>) semaphore(%arg15 : memref<!tpu.dma_semaphore, #tpu.memory_space<semaphore_mem>>) {add = true}
      %mul3A_94 = arith.constant 2 : i32
      %mul3A_95 = arith.muli %mul3A_94, %scan3A_51 : i32
      %add3A_96 = arith.constant 1 : i32
      %add3A_97 = arith.addi %mul3A_95, %add3A_96 : i32
      %dma_wait3A_98 = arith.constant 0 : i32
      %dma_wait3A_99 = tpu.memref_slice %arg6[%add3A_97, %dma_wait3A_98] : memref<80x128xi32, #tpu.memory_space<vmem>> -> memref<1x128xi32, #tpu.memory_space<vmem>>
      %dma_wait3A_100 = tpu.memref_squeeze %dma_wait3A_99 : memref<1x128xi32, #tpu.memory_space<vmem>> -> memref<128xi32, #tpu.memory_space<vmem>>
      %dma_wait3A_101 = arith.constant 0 : i32
      %dma_wait3A_102 = arith.constant 0 : i32
      %dma_wait3A_103 = tpu.memref_slice %arg12[%dma_wait3A_101, %dma_wait3A_102] : memref<10240x64xf32, #tpu.memory_space<vmem_shared>> -> memref<10240x64xf32, #tpu.memory_space<vmem_shared>>
      tpu.wait_indirect_dma semaphore(%arg14 : memref<!tpu.dma_semaphore, #tpu.memory_space<semaphore_mem>>) src(%dma_wait3A_103 : memref<10240x64xf32, #tpu.memory_space<vmem_shared>>) dst(%arg9 : memref<128x64xf32, #tpu.memory_space<vmem>>)
      %dma_start3A_104 = arith.constant 0 : i32
      %dma_start3A_105 = tpu.memref_slice %arg7[%add3A_97, %dma_start3A_104] : memref<80x128xi32, #tpu.memory_space<vmem>> -> memref<1x128xi32, #tpu.memory_space<vmem>>
      %dma_start3A_106 = tpu.memref_squeeze %dma_start3A_105 : memref<1x128xi32, #tpu.memory_space<vmem>> -> memref<128xi32, #tpu.memory_space<vmem>>
      %dma_start3A_107 = arith.constant 0 : i32
      %dma_start3A_108 = arith.constant 0 : i32
      %dma_start3A_109 = tpu.memref_slice %arg11[%dma_start3A_107, %dma_start3A_108] : memref<10240x64xf32, #tpu.memory_space<vmem_shared>> -> memref<10240x64xf32, #tpu.memory_space<vmem_shared>>
      tpu.enqueue_indirect_dma source(%arg9 : memref<128x64xf32, #tpu.memory_space<vmem>>) target(%dma_start3A_109 : memref<10240x64xf32, #tpu.memory_space<vmem_shared>>) offsets(%dma_start3A_106 : memref<128xi32, #tpu.memory_space<vmem>>) semaphore(%arg16 : memref<!tpu.dma_semaphore, #tpu.memory_space<semaphore_mem>>) {add = true}
    }
    %scan3A_32 = arith.constant 40 : i32
    %dma_wait3A = arith.constant 0 : i32
    %dma_wait3A_33 = arith.constant 0 : i32
    %dma_wait3A_34 = tpu.memref_slice %arg7[%dma_wait3A, %dma_wait3A_33] : memref<80x128xi32, #tpu.memory_space<vmem>> -> memref<1x128xi32, #tpu.memory_space<vmem>>
    %dma_wait3A_35 = tpu.memref_squeeze %dma_wait3A_34 : memref<1x128xi32, #tpu.memory_space<vmem>> -> memref<128xi32, #tpu.memory_space<vmem>>
    %dma_wait3A_36 = arith.constant 0 : i32
    %dma_wait3A_37 = arith.constant 0 : i32
    %dma_wait3A_38 = tpu.memref_slice %arg11[%dma_wait3A_36, %dma_wait3A_37] : memref<10240x64xf32, #tpu.memory_space<vmem_shared>> -> memref<10240x64xf32, #tpu.memory_space<vmem_shared>>
    tpu.wait_indirect_dma semaphore(%arg15 : memref<!tpu.dma_semaphore, #tpu.memory_space<semaphore_mem>>) src(%arg8 : memref<128x64xf32, #tpu.memory_space<vmem>>) dst(%dma_wait3A_38 : memref<10240x64xf32, #tpu.memory_space<vmem_shared>>)
    %dma_wait3A_39 = arith.constant 0 : i32
    %dma_wait3A_40 = arith.constant 0 : i32
    %dma_wait3A_41 = tpu.memref_slice %arg7[%dma_wait3A_39, %dma_wait3A_40] : memref<80x128xi32, #tpu.memory_space<vmem>> -> memref<1x128xi32, #tpu.memory_space<vmem>>
    %dma_wait3A_42 = tpu.memref_squeeze %dma_wait3A_41 : memref<1x128xi32, #tpu.memory_space<vmem>> -> memref<128xi32, #tpu.memory_space<vmem>>
    %dma_wait3A_43 = arith.constant 0 : i32
    %dma_wait3A_44 = arith.constant 0 : i32
    %dma_wait3A_45 = tpu.memref_slice %arg11[%dma_wait3A_43, %dma_wait3A_44] : memref<10240x64xf32, #tpu.memory_space<vmem_shared>> -> memref<10240x64xf32, #tpu.memory_space<vmem_shared>>
    tpu.wait_indirect_dma semaphore(%arg16 : memref<!tpu.dma_semaphore, #tpu.memory_space<semaphore_mem>>) src(%arg9 : memref<128x64xf32, #tpu.memory_space<vmem>>) dst(%dma_wait3A_45 : memref<10240x64xf32, #tpu.memory_space<vmem_shared>>)
    %barrier3A_46 = arith.constant 0 : index
    tpu.barrier barrier_id(%barrier3A_46)
    %mul3A_47 = arith.constant 640 : i32
    %mul3A_48 = arith.muli %arg1, %mul3A_47 : i32
    %mul3A_49 = arith.constant 640 : i32
    %mul3A_50 = arith.muli %arg1, %mul3A_49 : i32
    "tpu.region"() ({
      %run_scoped3A = tpu.sem_alloc : memref<!tpu.dma_semaphore, #tpu.memory_space<semaphore_mem>>
      %dma_start3A = arith.constant 0 : i32
      %dma_start3A_51 = tpu.memref_slice %arg5[%arg0, %mul3A_50, %dma_start3A] : memref<2x10240x64xf32, #tpu.memory_space<hbm>> -> memref<1x640x64xf32, #tpu.memory_space<hbm>>
      %dma_start3A_52 = tpu.memref_squeeze %dma_start3A_51 : memref<1x640x64xf32, #tpu.memory_space<hbm>> -> memref<640x64xf32, #tpu.memory_space<hbm>>
      %dma_start3A_53 = arith.constant 0 : i32
      %dma_start3A_54 = tpu.memref_slice %arg11[%mul3A_48, %dma_start3A_53] : memref<10240x64xf32, #tpu.memory_space<vmem_shared>> -> memref<640x64xf32, #tpu.memory_space<vmem_shared>>
      tpu.enqueue_dma source(%dma_start3A_54 : memref<640x64xf32, #tpu.memory_space<vmem_shared>>) target(%dma_start3A_52 : memref<640x64xf32, #tpu.memory_space<hbm>>) target_semaphore(%run_scoped3A : memref<!tpu.dma_semaphore, #tpu.memory_space<semaphore_mem>>)
      %dma_wait3A_55 = arith.constant 0 : i32
      %dma_wait3A_56 = tpu.memref_slice %arg5[%arg0, %mul3A_50, %dma_wait3A_55] : memref<2x10240x64xf32, #tpu.memory_space<hbm>> -> memref<1x640x64xf32, #tpu.memory_space<hbm>>
      %dma_wait3A_57 = tpu.memref_squeeze %dma_wait3A_56 : memref<1x640x64xf32, #tpu.memory_space<hbm>> -> memref<640x64xf32, #tpu.memory_space<hbm>>
      %dma_wait3A_58 = arith.constant 0 : i32
      %dma_wait3A_59 = tpu.memref_slice %arg11[%mul3A_48, %dma_wait3A_58] : memref<10240x64xf32, #tpu.memory_space<vmem_shared>> -> memref<640x64xf32, #tpu.memory_space<vmem_shared>>
      tpu.wait_dma2 semaphore(%run_scoped3A : memref<!tpu.dma_semaphore, #tpu.memory_space<semaphore_mem>>) src(%dma_wait3A_59 : memref<640x64xf32, #tpu.memory_space<vmem_shared>>) dst(%dma_wait3A_57 : memref<640x64xf32, #tpu.memory_space<hbm>>)
      tpu.yield
    }) : () -> ()
    return
  }
}

#map = affine_map<(d0, d1) -> (0, 0, 0, 0)>
#map1 = affine_map<(d0, d1) -> (0, 0, 0)>
module attributes {stable_mosaic.version = 14 : i64} {
  func.func @deg_kernel(%arg0: i32, %arg1: i32, %arg2: memref<2x16x80x128xi32, #tpu.memory_space<hbm>>, %arg3: memref<2x128x8xf32, #tpu.memory_space<hbm>>, %arg4: memref<2x10240x8xf32, #tpu.memory_space<hbm>>, %arg5: memref<80x128xi32, #tpu.memory_space<vmem>>, %arg6: memref<128x8xf32, #tpu.memory_space<vmem>>, %arg7: memref<10240x8xf32, #tpu.memory_space<vmem_shared>>, %arg8: memref<!tpu.dma_semaphore, #tpu.memory_space<semaphore_mem>>) attributes {dimension_semantics = [#tpu.dimension_semantics<core_parallel>, #tpu.dimension_semantics<subcore_parallel>], iteration_bounds = array<i64: 2, 16>, scalar_prefetch = 0 : i64, scratch_operands = 4 : i64, tpu.core_type = #tpu.core_type<sc_vector_subcore>, window_params = [{transform_indices = #map}, {transform_indices = #map1}, {transform_indices = #map1}]} {
    %run_scoped3A = arith.constant 0 : i32
    "tpu.region"() ({
      %run_scoped3A_33 = tpu.sem_alloc : memref<!tpu.dma_semaphore, #tpu.memory_space<semaphore_mem>>
      %dma_start3A = arith.constant 0 : i32
      %dma_start3A_34 = arith.constant 0 : i32
      %dma_start3A_35 = tpu.memref_slice %arg3[%run_scoped3A, %dma_start3A, %dma_start3A_34] : memref<2x128x8xf32, #tpu.memory_space<hbm>> -> memref<1x128x8xf32, #tpu.memory_space<hbm>>
      %dma_start3A_36 = tpu.memref_squeeze %dma_start3A_35 : memref<1x128x8xf32, #tpu.memory_space<hbm>> -> memref<128x8xf32, #tpu.memory_space<hbm>>
      %dma_start3A_37 = arith.constant 0 : i32
      %dma_start3A_38 = arith.constant 0 : i32
      %dma_start3A_39 = tpu.memref_slice %arg3[%run_scoped3A, %dma_start3A_37, %dma_start3A_38] : memref<2x128x8xf32, #tpu.memory_space<hbm>> -> memref<1x128x8xf32, #tpu.memory_space<hbm>>
      %dma_start3A_40 = tpu.memref_squeeze %dma_start3A_39 : memref<1x128x8xf32, #tpu.memory_space<hbm>> -> memref<128x8xf32, #tpu.memory_space<hbm>>
      tpu.enqueue_dma source(%dma_start3A_40 : memref<128x8xf32, #tpu.memory_space<hbm>>) target(%arg6 : memref<128x8xf32, #tpu.memory_space<vmem>>) target_semaphore(%run_scoped3A_33 : memref<!tpu.dma_semaphore, #tpu.memory_space<semaphore_mem>>)
      %dma_wait3A = arith.constant 0 : i32
      %dma_wait3A_41 = arith.constant 0 : i32
      %dma_wait3A_42 = tpu.memref_slice %arg3[%run_scoped3A, %dma_wait3A, %dma_wait3A_41] : memref<2x128x8xf32, #tpu.memory_space<hbm>> -> memref<1x128x8xf32, #tpu.memory_space<hbm>>
      %dma_wait3A_43 = tpu.memref_squeeze %dma_wait3A_42 : memref<1x128x8xf32, #tpu.memory_space<hbm>> -> memref<128x8xf32, #tpu.memory_space<hbm>>
      %dma_wait3A_44 = arith.constant 0 : i32
      %dma_wait3A_45 = arith.constant 0 : i32
      %dma_wait3A_46 = tpu.memref_slice %arg3[%run_scoped3A, %dma_wait3A_44, %dma_wait3A_45] : memref<2x128x8xf32, #tpu.memory_space<hbm>> -> memref<1x128x8xf32, #tpu.memory_space<hbm>>
      %dma_wait3A_47 = tpu.memref_squeeze %dma_wait3A_46 : memref<1x128x8xf32, #tpu.memory_space<hbm>> -> memref<128x8xf32, #tpu.memory_space<hbm>>
      tpu.wait_dma2 semaphore(%run_scoped3A_33 : memref<!tpu.dma_semaphore, #tpu.memory_space<semaphore_mem>>) src(%dma_wait3A_47 : memref<128x8xf32, #tpu.memory_space<hbm>>) dst(%arg6 : memref<128x8xf32, #tpu.memory_space<vmem>>)
      tpu.yield
    }) : () -> ()
    %mul3A = arith.constant 640 : i32
    %mul3A_0 = arith.muli %arg1, %mul3A : i32
    %add3A = arith.constant 0 : i32
    %add3A_1 = arith.addi %mul3A_0, %add3A : i32
    %run_scoped3A_2 = arith.constant 1 : i32
    "tpu.region"() ({
      %run_scoped3A_33 = tpu.sem_alloc : memref<!tpu.dma_semaphore, #tpu.memory_space<semaphore_mem>>
      %dma_start3A = arith.constant 0 : i32
      %dma_start3A_34 = tpu.memref_slice %arg7[%add3A_1, %dma_start3A] : memref<10240x8xf32, #tpu.memory_space<vmem_shared>> -> memref<128x8xf32, #tpu.memory_space<vmem_shared>>
      %dma_start3A_35 = arith.constant 0 : i32
      %dma_start3A_36 = arith.constant 0 : i32
      %dma_start3A_37 = tpu.memref_slice %arg3[%run_scoped3A_2, %dma_start3A_35, %dma_start3A_36] : memref<2x128x8xf32, #tpu.memory_space<hbm>> -> memref<1x128x8xf32, #tpu.memory_space<hbm>>
      %dma_start3A_38 = tpu.memref_squeeze %dma_start3A_37 : memref<1x128x8xf32, #tpu.memory_space<hbm>> -> memref<128x8xf32, #tpu.memory_space<hbm>>
      tpu.enqueue_dma source(%dma_start3A_38 : memref<128x8xf32, #tpu.memory_space<hbm>>) target(%dma_start3A_34 : memref<128x8xf32, #tpu.memory_space<vmem_shared>>) target_semaphore(%run_scoped3A_33 : memref<!tpu.dma_semaphore, #tpu.memory_space<semaphore_mem>>)
      %dma_wait3A = arith.constant 0 : i32
      %dma_wait3A_39 = tpu.memref_slice %arg7[%add3A_1, %dma_wait3A] : memref<10240x8xf32, #tpu.memory_space<vmem_shared>> -> memref<128x8xf32, #tpu.memory_space<vmem_shared>>
      %dma_wait3A_40 = arith.constant 0 : i32
      %dma_wait3A_41 = arith.constant 0 : i32
      %dma_wait3A_42 = tpu.memref_slice %arg3[%run_scoped3A_2, %dma_wait3A_40, %dma_wait3A_41] : memref<2x128x8xf32, #tpu.memory_space<hbm>> -> memref<1x128x8xf32, #tpu.memory_space<hbm>>
      %dma_wait3A_43 = tpu.memref_squeeze %dma_wait3A_42 : memref<1x128x8xf32, #tpu.memory_space<hbm>> -> memref<128x8xf32, #tpu.memory_space<hbm>>
      tpu.wait_dma2 semaphore(%run_scoped3A_33 : memref<!tpu.dma_semaphore, #tpu.memory_space<semaphore_mem>>) src(%dma_wait3A_43 : memref<128x8xf32, #tpu.memory_space<hbm>>) dst(%dma_wait3A_39 : memref<128x8xf32, #tpu.memory_space<vmem_shared>>)
      tpu.yield
    }) : () -> ()
    %mul3A_3 = arith.constant 640 : i32
    %mul3A_4 = arith.muli %arg1, %mul3A_3 : i32
    %add3A_5 = arith.constant 128 : i32
    %add3A_6 = arith.addi %mul3A_4, %add3A_5 : i32
    %run_scoped3A_7 = arith.constant 1 : i32
    "tpu.region"() ({
      %run_scoped3A_33 = tpu.sem_alloc : memref<!tpu.dma_semaphore, #tpu.memory_space<semaphore_mem>>
      %dma_start3A = arith.constant 0 : i32
      %dma_start3A_34 = tpu.memref_slice %arg7[%add3A_6, %dma_start3A] : memref<10240x8xf32, #tpu.memory_space<vmem_shared>> -> memref<128x8xf32, #tpu.memory_space<vmem_shared>>
      %dma_start3A_35 = arith.constant 0 : i32
      %dma_start3A_36 = arith.constant 0 : i32
      %dma_start3A_37 = tpu.memref_slice %arg3[%run_scoped3A_7, %dma_start3A_35, %dma_start3A_36] : memref<2x128x8xf32, #tpu.memory_space<hbm>> -> memref<1x128x8xf32, #tpu.memory_space<hbm>>
      %dma_start3A_38 = tpu.memref_squeeze %dma_start3A_37 : memref<1x128x8xf32, #tpu.memory_space<hbm>> -> memref<128x8xf32, #tpu.memory_space<hbm>>
      tpu.enqueue_dma source(%dma_start3A_38 : memref<128x8xf32, #tpu.memory_space<hbm>>) target(%dma_start3A_34 : memref<128x8xf32, #tpu.memory_space<vmem_shared>>) target_semaphore(%run_scoped3A_33 : memref<!tpu.dma_semaphore, #tpu.memory_space<semaphore_mem>>)
      %dma_wait3A = arith.constant 0 : i32
      %dma_wait3A_39 = tpu.memref_slice %arg7[%add3A_6, %dma_wait3A] : memref<10240x8xf32, #tpu.memory_space<vmem_shared>> -> memref<128x8xf32, #tpu.memory_space<vmem_shared>>
      %dma_wait3A_40 = arith.constant 0 : i32
      %dma_wait3A_41 = arith.constant 0 : i32
      %dma_wait3A_42 = tpu.memref_slice %arg3[%run_scoped3A_7, %dma_wait3A_40, %dma_wait3A_41] : memref<2x128x8xf32, #tpu.memory_space<hbm>> -> memref<1x128x8xf32, #tpu.memory_space<hbm>>
      %dma_wait3A_43 = tpu.memref_squeeze %dma_wait3A_42 : memref<1x128x8xf32, #tpu.memory_space<hbm>> -> memref<128x8xf32, #tpu.memory_space<hbm>>
      tpu.wait_dma2 semaphore(%run_scoped3A_33 : memref<!tpu.dma_semaphore, #tpu.memory_space<semaphore_mem>>) src(%dma_wait3A_43 : memref<128x8xf32, #tpu.memory_space<hbm>>) dst(%dma_wait3A_39 : memref<128x8xf32, #tpu.memory_space<vmem_shared>>)
      tpu.yield
    }) : () -> ()
    %mul3A_8 = arith.constant 640 : i32
    %mul3A_9 = arith.muli %arg1, %mul3A_8 : i32
    %add3A_10 = arith.constant 256 : i32
    %add3A_11 = arith.addi %mul3A_9, %add3A_10 : i32
    %run_scoped3A_12 = arith.constant 1 : i32
    "tpu.region"() ({
      %run_scoped3A_33 = tpu.sem_alloc : memref<!tpu.dma_semaphore, #tpu.memory_space<semaphore_mem>>
      %dma_start3A = arith.constant 0 : i32
      %dma_start3A_34 = tpu.memref_slice %arg7[%add3A_11, %dma_start3A] : memref<10240x8xf32, #tpu.memory_space<vmem_shared>> -> memref<128x8xf32, #tpu.memory_space<vmem_shared>>
      %dma_start3A_35 = arith.constant 0 : i32
      %dma_start3A_36 = arith.constant 0 : i32
      %dma_start3A_37 = tpu.memref_slice %arg3[%run_scoped3A_12, %dma_start3A_35, %dma_start3A_36] : memref<2x128x8xf32, #tpu.memory_space<hbm>> -> memref<1x128x8xf32, #tpu.memory_space<hbm>>
      %dma_start3A_38 = tpu.memref_squeeze %dma_start3A_37 : memref<1x128x8xf32, #tpu.memory_space<hbm>> -> memref<128x8xf32, #tpu.memory_space<hbm>>
      tpu.enqueue_dma source(%dma_start3A_38 : memref<128x8xf32, #tpu.memory_space<hbm>>) target(%dma_start3A_34 : memref<128x8xf32, #tpu.memory_space<vmem_shared>>) target_semaphore(%run_scoped3A_33 : memref<!tpu.dma_semaphore, #tpu.memory_space<semaphore_mem>>)
      %dma_wait3A = arith.constant 0 : i32
      %dma_wait3A_39 = tpu.memref_slice %arg7[%add3A_11, %dma_wait3A] : memref<10240x8xf32, #tpu.memory_space<vmem_shared>> -> memref<128x8xf32, #tpu.memory_space<vmem_shared>>
      %dma_wait3A_40 = arith.constant 0 : i32
      %dma_wait3A_41 = arith.constant 0 : i32
      %dma_wait3A_42 = tpu.memref_slice %arg3[%run_scoped3A_12, %dma_wait3A_40, %dma_wait3A_41] : memref<2x128x8xf32, #tpu.memory_space<hbm>> -> memref<1x128x8xf32, #tpu.memory_space<hbm>>
      %dma_wait3A_43 = tpu.memref_squeeze %dma_wait3A_42 : memref<1x128x8xf32, #tpu.memory_space<hbm>> -> memref<128x8xf32, #tpu.memory_space<hbm>>
      tpu.wait_dma2 semaphore(%run_scoped3A_33 : memref<!tpu.dma_semaphore, #tpu.memory_space<semaphore_mem>>) src(%dma_wait3A_43 : memref<128x8xf32, #tpu.memory_space<hbm>>) dst(%dma_wait3A_39 : memref<128x8xf32, #tpu.memory_space<vmem_shared>>)
      tpu.yield
    }) : () -> ()
    %mul3A_13 = arith.constant 640 : i32
    %mul3A_14 = arith.muli %arg1, %mul3A_13 : i32
    %add3A_15 = arith.constant 384 : i32
    %add3A_16 = arith.addi %mul3A_14, %add3A_15 : i32
    %run_scoped3A_17 = arith.constant 1 : i32
    "tpu.region"() ({
      %run_scoped3A_33 = tpu.sem_alloc : memref<!tpu.dma_semaphore, #tpu.memory_space<semaphore_mem>>
      %dma_start3A = arith.constant 0 : i32
      %dma_start3A_34 = tpu.memref_slice %arg7[%add3A_16, %dma_start3A] : memref<10240x8xf32, #tpu.memory_space<vmem_shared>> -> memref<128x8xf32, #tpu.memory_space<vmem_shared>>
      %dma_start3A_35 = arith.constant 0 : i32
      %dma_start3A_36 = arith.constant 0 : i32
      %dma_start3A_37 = tpu.memref_slice %arg3[%run_scoped3A_17, %dma_start3A_35, %dma_start3A_36] : memref<2x128x8xf32, #tpu.memory_space<hbm>> -> memref<1x128x8xf32, #tpu.memory_space<hbm>>
      %dma_start3A_38 = tpu.memref_squeeze %dma_start3A_37 : memref<1x128x8xf32, #tpu.memory_space<hbm>> -> memref<128x8xf32, #tpu.memory_space<hbm>>
      tpu.enqueue_dma source(%dma_start3A_38 : memref<128x8xf32, #tpu.memory_space<hbm>>) target(%dma_start3A_34 : memref<128x8xf32, #tpu.memory_space<vmem_shared>>) target_semaphore(%run_scoped3A_33 : memref<!tpu.dma_semaphore, #tpu.memory_space<semaphore_mem>>)
      %dma_wait3A = arith.constant 0 : i32
      %dma_wait3A_39 = tpu.memref_slice %arg7[%add3A_16, %dma_wait3A] : memref<10240x8xf32, #tpu.memory_space<vmem_shared>> -> memref<128x8xf32, #tpu.memory_space<vmem_shared>>
      %dma_wait3A_40 = arith.constant 0 : i32
      %dma_wait3A_41 = arith.constant 0 : i32
      %dma_wait3A_42 = tpu.memref_slice %arg3[%run_scoped3A_17, %dma_wait3A_40, %dma_wait3A_41] : memref<2x128x8xf32, #tpu.memory_space<hbm>> -> memref<1x128x8xf32, #tpu.memory_space<hbm>>
      %dma_wait3A_43 = tpu.memref_squeeze %dma_wait3A_42 : memref<1x128x8xf32, #tpu.memory_space<hbm>> -> memref<128x8xf32, #tpu.memory_space<hbm>>
      tpu.wait_dma2 semaphore(%run_scoped3A_33 : memref<!tpu.dma_semaphore, #tpu.memory_space<semaphore_mem>>) src(%dma_wait3A_43 : memref<128x8xf32, #tpu.memory_space<hbm>>) dst(%dma_wait3A_39 : memref<128x8xf32, #tpu.memory_space<vmem_shared>>)
      tpu.yield
    }) : () -> ()
    %mul3A_18 = arith.constant 640 : i32
    %mul3A_19 = arith.muli %arg1, %mul3A_18 : i32
    %add3A_20 = arith.constant 512 : i32
    %add3A_21 = arith.addi %mul3A_19, %add3A_20 : i32
    %run_scoped3A_22 = arith.constant 1 : i32
    "tpu.region"() ({
      %run_scoped3A_33 = tpu.sem_alloc : memref<!tpu.dma_semaphore, #tpu.memory_space<semaphore_mem>>
      %dma_start3A = arith.constant 0 : i32
      %dma_start3A_34 = tpu.memref_slice %arg7[%add3A_21, %dma_start3A] : memref<10240x8xf32, #tpu.memory_space<vmem_shared>> -> memref<128x8xf32, #tpu.memory_space<vmem_shared>>
      %dma_start3A_35 = arith.constant 0 : i32
      %dma_start3A_36 = arith.constant 0 : i32
      %dma_start3A_37 = tpu.memref_slice %arg3[%run_scoped3A_22, %dma_start3A_35, %dma_start3A_36] : memref<2x128x8xf32, #tpu.memory_space<hbm>> -> memref<1x128x8xf32, #tpu.memory_space<hbm>>
      %dma_start3A_38 = tpu.memref_squeeze %dma_start3A_37 : memref<1x128x8xf32, #tpu.memory_space<hbm>> -> memref<128x8xf32, #tpu.memory_space<hbm>>
      tpu.enqueue_dma source(%dma_start3A_38 : memref<128x8xf32, #tpu.memory_space<hbm>>) target(%dma_start3A_34 : memref<128x8xf32, #tpu.memory_space<vmem_shared>>) target_semaphore(%run_scoped3A_33 : memref<!tpu.dma_semaphore, #tpu.memory_space<semaphore_mem>>)
      %dma_wait3A = arith.constant 0 : i32
      %dma_wait3A_39 = tpu.memref_slice %arg7[%add3A_21, %dma_wait3A] : memref<10240x8xf32, #tpu.memory_space<vmem_shared>> -> memref<128x8xf32, #tpu.memory_space<vmem_shared>>
      %dma_wait3A_40 = arith.constant 0 : i32
      %dma_wait3A_41 = arith.constant 0 : i32
      %dma_wait3A_42 = tpu.memref_slice %arg3[%run_scoped3A_22, %dma_wait3A_40, %dma_wait3A_41] : memref<2x128x8xf32, #tpu.memory_space<hbm>> -> memref<1x128x8xf32, #tpu.memory_space<hbm>>
      %dma_wait3A_43 = tpu.memref_squeeze %dma_wait3A_42 : memref<1x128x8xf32, #tpu.memory_space<hbm>> -> memref<128x8xf32, #tpu.memory_space<hbm>>
      tpu.wait_dma2 semaphore(%run_scoped3A_33 : memref<!tpu.dma_semaphore, #tpu.memory_space<semaphore_mem>>) src(%dma_wait3A_43 : memref<128x8xf32, #tpu.memory_space<hbm>>) dst(%dma_wait3A_39 : memref<128x8xf32, #tpu.memory_space<vmem_shared>>)
      tpu.yield
    }) : () -> ()
    %barrier3A = arith.constant 0 : index
    tpu.barrier barrier_id(%barrier3A)
    "tpu.region"() ({
      %run_scoped3A_33 = tpu.sem_alloc : memref<!tpu.dma_semaphore, #tpu.memory_space<semaphore_mem>>
      %dma_start3A = arith.constant 0 : i32
      %dma_start3A_34 = arith.constant 0 : i32
      %dma_start3A_35 = tpu.memref_slice %arg2[%arg0, %arg1, %dma_start3A, %dma_start3A_34] : memref<2x16x80x128xi32, #tpu.memory_space<hbm>> -> memref<1x1x80x128xi32, #tpu.memory_space<hbm>>
      %dma_start3A_36 = tpu.memref_squeeze %dma_start3A_35 : memref<1x1x80x128xi32, #tpu.memory_space<hbm>> -> memref<80x128xi32, #tpu.memory_space<hbm>>
      %dma_start3A_37 = arith.constant 0 : i32
      %dma_start3A_38 = arith.constant 0 : i32
      %dma_start3A_39 = tpu.memref_slice %arg2[%arg0, %arg1, %dma_start3A_37, %dma_start3A_38] : memref<2x16x80x128xi32, #tpu.memory_space<hbm>> -> memref<1x1x80x128xi32, #tpu.memory_space<hbm>>
      %dma_start3A_40 = tpu.memref_squeeze %dma_start3A_39 : memref<1x1x80x128xi32, #tpu.memory_space<hbm>> -> memref<80x128xi32, #tpu.memory_space<hbm>>
      tpu.enqueue_dma source(%dma_start3A_40 : memref<80x128xi32, #tpu.memory_space<hbm>>) target(%arg5 : memref<80x128xi32, #tpu.memory_space<vmem>>) target_semaphore(%run_scoped3A_33 : memref<!tpu.dma_semaphore, #tpu.memory_space<semaphore_mem>>)
      %dma_wait3A = arith.constant 0 : i32
      %dma_wait3A_41 = arith.constant 0 : i32
      %dma_wait3A_42 = tpu.memref_slice %arg2[%arg0, %arg1, %dma_wait3A, %dma_wait3A_41] : memref<2x16x80x128xi32, #tpu.memory_space<hbm>> -> memref<1x1x80x128xi32, #tpu.memory_space<hbm>>
      %dma_wait3A_43 = tpu.memref_squeeze %dma_wait3A_42 : memref<1x1x80x128xi32, #tpu.memory_space<hbm>> -> memref<80x128xi32, #tpu.memory_space<hbm>>
      %dma_wait3A_44 = arith.constant 0 : i32
      %dma_wait3A_45 = arith.constant 0 : i32
      %dma_wait3A_46 = tpu.memref_slice %arg2[%arg0, %arg1, %dma_wait3A_44, %dma_wait3A_45] : memref<2x16x80x128xi32, #tpu.memory_space<hbm>> -> memref<1x1x80x128xi32, #tpu.memory_space<hbm>>
      %dma_wait3A_47 = tpu.memref_squeeze %dma_wait3A_46 : memref<1x1x80x128xi32, #tpu.memory_space<hbm>> -> memref<80x128xi32, #tpu.memory_space<hbm>>
      tpu.wait_dma2 semaphore(%run_scoped3A_33 : memref<!tpu.dma_semaphore, #tpu.memory_space<semaphore_mem>>) src(%dma_wait3A_47 : memref<80x128xi32, #tpu.memory_space<hbm>>) dst(%arg5 : memref<80x128xi32, #tpu.memory_space<vmem>>)
      tpu.yield
    }) : () -> ()
    %scan3A = arith.constant 0 : i32
    %scan3A_23 = arith.constant 0 : i32
    %scan3A_24 = arith.constant 10 : i32
    %scan3A_25 = arith.addi %scan3A_23, %scan3A_24 : i32
    %scan3A_26 = arith.constant 1 : i32
    scf.for %scan3A_33 = %scan3A_23 to %scan3A_25 step %scan3A_26  : i32 {
      %mul3A_34 = arith.constant 8 : i32
      %mul3A_35 = arith.muli %scan3A_33, %mul3A_34 : i32
      %add3A_36 = arith.constant 0 : i32
      %add3A_37 = arith.addi %mul3A_35, %add3A_36 : i32
      %dma_start3A = arith.constant 0 : i32
      %dma_start3A_38 = tpu.memref_slice %arg5[%add3A_37, %dma_start3A] : memref<80x128xi32, #tpu.memory_space<vmem>> -> memref<1x128xi32, #tpu.memory_space<vmem>>
      %dma_start3A_39 = tpu.memref_squeeze %dma_start3A_38 : memref<1x128xi32, #tpu.memory_space<vmem>> -> memref<128xi32, #tpu.memory_space<vmem>>
      %dma_start3A_40 = arith.constant 0 : i32
      %dma_start3A_41 = arith.constant 0 : i32
      %dma_start3A_42 = tpu.memref_slice %arg7[%dma_start3A_40, %dma_start3A_41] : memref<10240x8xf32, #tpu.memory_space<vmem_shared>> -> memref<10240x8xf32, #tpu.memory_space<vmem_shared>>
      tpu.enqueue_indirect_dma source(%arg6 : memref<128x8xf32, #tpu.memory_space<vmem>>) target(%dma_start3A_42 : memref<10240x8xf32, #tpu.memory_space<vmem_shared>>) offsets(%dma_start3A_39 : memref<128xi32, #tpu.memory_space<vmem>>) semaphore(%arg8 : memref<!tpu.dma_semaphore, #tpu.memory_space<semaphore_mem>>) {add = true}
      %mul3A_43 = arith.constant 8 : i32
      %mul3A_44 = arith.muli %scan3A_33, %mul3A_43 : i32
      %add3A_45 = arith.constant 1 : i32
      %add3A_46 = arith.addi %mul3A_44, %add3A_45 : i32
      %dma_start3A_47 = arith.constant 0 : i32
      %dma_start3A_48 = tpu.memref_slice %arg5[%add3A_46, %dma_start3A_47] : memref<80x128xi32, #tpu.memory_space<vmem>> -> memref<1x128xi32, #tpu.memory_space<vmem>>
      %dma_start3A_49 = tpu.memref_squeeze %dma_start3A_48 : memref<1x128xi32, #tpu.memory_space<vmem>> -> memref<128xi32, #tpu.memory_space<vmem>>
      %dma_start3A_50 = arith.constant 0 : i32
      %dma_start3A_51 = arith.constant 0 : i32
      %dma_start3A_52 = tpu.memref_slice %arg7[%dma_start3A_50, %dma_start3A_51] : memref<10240x8xf32, #tpu.memory_space<vmem_shared>> -> memref<10240x8xf32, #tpu.memory_space<vmem_shared>>
      tpu.enqueue_indirect_dma source(%arg6 : memref<128x8xf32, #tpu.memory_space<vmem>>) target(%dma_start3A_52 : memref<10240x8xf32, #tpu.memory_space<vmem_shared>>) offsets(%dma_start3A_49 : memref<128xi32, #tpu.memory_space<vmem>>) semaphore(%arg8 : memref<!tpu.dma_semaphore, #tpu.memory_space<semaphore_mem>>) {add = true}
      %mul3A_53 = arith.constant 8 : i32
      %mul3A_54 = arith.muli %scan3A_33, %mul3A_53 : i32
      %add3A_55 = arith.constant 2 : i32
      %add3A_56 = arith.addi %mul3A_54, %add3A_55 : i32
      %dma_start3A_57 = arith.constant 0 : i32
      %dma_start3A_58 = tpu.memref_slice %arg5[%add3A_56, %dma_start3A_57] : memref<80x128xi32, #tpu.memory_space<vmem>> -> memref<1x128xi32, #tpu.memory_space<vmem>>
      %dma_start3A_59 = tpu.memref_squeeze %dma_start3A_58 : memref<1x128xi32, #tpu.memory_space<vmem>> -> memref<128xi32, #tpu.memory_space<vmem>>
      %dma_start3A_60 = arith.constant 0 : i32
      %dma_start3A_61 = arith.constant 0 : i32
      %dma_start3A_62 = tpu.memref_slice %arg7[%dma_start3A_60, %dma_start3A_61] : memref<10240x8xf32, #tpu.memory_space<vmem_shared>> -> memref<10240x8xf32, #tpu.memory_space<vmem_shared>>
      tpu.enqueue_indirect_dma source(%arg6 : memref<128x8xf32, #tpu.memory_space<vmem>>) target(%dma_start3A_62 : memref<10240x8xf32, #tpu.memory_space<vmem_shared>>) offsets(%dma_start3A_59 : memref<128xi32, #tpu.memory_space<vmem>>) semaphore(%arg8 : memref<!tpu.dma_semaphore, #tpu.memory_space<semaphore_mem>>) {add = true}
      %mul3A_63 = arith.constant 8 : i32
      %mul3A_64 = arith.muli %scan3A_33, %mul3A_63 : i32
      %add3A_65 = arith.constant 3 : i32
      %add3A_66 = arith.addi %mul3A_64, %add3A_65 : i32
      %dma_start3A_67 = arith.constant 0 : i32
      %dma_start3A_68 = tpu.memref_slice %arg5[%add3A_66, %dma_start3A_67] : memref<80x128xi32, #tpu.memory_space<vmem>> -> memref<1x128xi32, #tpu.memory_space<vmem>>
      %dma_start3A_69 = tpu.memref_squeeze %dma_start3A_68 : memref<1x128xi32, #tpu.memory_space<vmem>> -> memref<128xi32, #tpu.memory_space<vmem>>
      %dma_start3A_70 = arith.constant 0 : i32
      %dma_start3A_71 = arith.constant 0 : i32
      %dma_start3A_72 = tpu.memref_slice %arg7[%dma_start3A_70, %dma_start3A_71] : memref<10240x8xf32, #tpu.memory_space<vmem_shared>> -> memref<10240x8xf32, #tpu.memory_space<vmem_shared>>
      tpu.enqueue_indirect_dma source(%arg6 : memref<128x8xf32, #tpu.memory_space<vmem>>) target(%dma_start3A_72 : memref<10240x8xf32, #tpu.memory_space<vmem_shared>>) offsets(%dma_start3A_69 : memref<128xi32, #tpu.memory_space<vmem>>) semaphore(%arg8 : memref<!tpu.dma_semaphore, #tpu.memory_space<semaphore_mem>>) {add = true}
      %mul3A_73 = arith.constant 8 : i32
      %mul3A_74 = arith.muli %scan3A_33, %mul3A_73 : i32
      %add3A_75 = arith.constant 4 : i32
      %add3A_76 = arith.addi %mul3A_74, %add3A_75 : i32
      %dma_start3A_77 = arith.constant 0 : i32
      %dma_start3A_78 = tpu.memref_slice %arg5[%add3A_76, %dma_start3A_77] : memref<80x128xi32, #tpu.memory_space<vmem>> -> memref<1x128xi32, #tpu.memory_space<vmem>>
      %dma_start3A_79 = tpu.memref_squeeze %dma_start3A_78 : memref<1x128xi32, #tpu.memory_space<vmem>> -> memref<128xi32, #tpu.memory_space<vmem>>
      %dma_start3A_80 = arith.constant 0 : i32
      %dma_start3A_81 = arith.constant 0 : i32
      %dma_start3A_82 = tpu.memref_slice %arg7[%dma_start3A_80, %dma_start3A_81] : memref<10240x8xf32, #tpu.memory_space<vmem_shared>> -> memref<10240x8xf32, #tpu.memory_space<vmem_shared>>
      tpu.enqueue_indirect_dma source(%arg6 : memref<128x8xf32, #tpu.memory_space<vmem>>) target(%dma_start3A_82 : memref<10240x8xf32, #tpu.memory_space<vmem_shared>>) offsets(%dma_start3A_79 : memref<128xi32, #tpu.memory_space<vmem>>) semaphore(%arg8 : memref<!tpu.dma_semaphore, #tpu.memory_space<semaphore_mem>>) {add = true}
      %mul3A_83 = arith.constant 8 : i32
      %mul3A_84 = arith.muli %scan3A_33, %mul3A_83 : i32
      %add3A_85 = arith.constant 5 : i32
      %add3A_86 = arith.addi %mul3A_84, %add3A_85 : i32
      %dma_start3A_87 = arith.constant 0 : i32
      %dma_start3A_88 = tpu.memref_slice %arg5[%add3A_86, %dma_start3A_87] : memref<80x128xi32, #tpu.memory_space<vmem>> -> memref<1x128xi32, #tpu.memory_space<vmem>>
      %dma_start3A_89 = tpu.memref_squeeze %dma_start3A_88 : memref<1x128xi32, #tpu.memory_space<vmem>> -> memref<128xi32, #tpu.memory_space<vmem>>
      %dma_start3A_90 = arith.constant 0 : i32
      %dma_start3A_91 = arith.constant 0 : i32
      %dma_start3A_92 = tpu.memref_slice %arg7[%dma_start3A_90, %dma_start3A_91] : memref<10240x8xf32, #tpu.memory_space<vmem_shared>> -> memref<10240x8xf32, #tpu.memory_space<vmem_shared>>
      tpu.enqueue_indirect_dma source(%arg6 : memref<128x8xf32, #tpu.memory_space<vmem>>) target(%dma_start3A_92 : memref<10240x8xf32, #tpu.memory_space<vmem_shared>>) offsets(%dma_start3A_89 : memref<128xi32, #tpu.memory_space<vmem>>) semaphore(%arg8 : memref<!tpu.dma_semaphore, #tpu.memory_space<semaphore_mem>>) {add = true}
      %mul3A_93 = arith.constant 8 : i32
      %mul3A_94 = arith.muli %scan3A_33, %mul3A_93 : i32
      %add3A_95 = arith.constant 6 : i32
      %add3A_96 = arith.addi %mul3A_94, %add3A_95 : i32
      %dma_start3A_97 = arith.constant 0 : i32
      %dma_start3A_98 = tpu.memref_slice %arg5[%add3A_96, %dma_start3A_97] : memref<80x128xi32, #tpu.memory_space<vmem>> -> memref<1x128xi32, #tpu.memory_space<vmem>>
      %dma_start3A_99 = tpu.memref_squeeze %dma_start3A_98 : memref<1x128xi32, #tpu.memory_space<vmem>> -> memref<128xi32, #tpu.memory_space<vmem>>
      %dma_start3A_100 = arith.constant 0 : i32
      %dma_start3A_101 = arith.constant 0 : i32
      %dma_start3A_102 = tpu.memref_slice %arg7[%dma_start3A_100, %dma_start3A_101] : memref<10240x8xf32, #tpu.memory_space<vmem_shared>> -> memref<10240x8xf32, #tpu.memory_space<vmem_shared>>
      tpu.enqueue_indirect_dma source(%arg6 : memref<128x8xf32, #tpu.memory_space<vmem>>) target(%dma_start3A_102 : memref<10240x8xf32, #tpu.memory_space<vmem_shared>>) offsets(%dma_start3A_99 : memref<128xi32, #tpu.memory_space<vmem>>) semaphore(%arg8 : memref<!tpu.dma_semaphore, #tpu.memory_space<semaphore_mem>>) {add = true}
      %mul3A_103 = arith.constant 8 : i32
      %mul3A_104 = arith.muli %scan3A_33, %mul3A_103 : i32
      %add3A_105 = arith.constant 7 : i32
      %add3A_106 = arith.addi %mul3A_104, %add3A_105 : i32
      %dma_start3A_107 = arith.constant 0 : i32
      %dma_start3A_108 = tpu.memref_slice %arg5[%add3A_106, %dma_start3A_107] : memref<80x128xi32, #tpu.memory_space<vmem>> -> memref<1x128xi32, #tpu.memory_space<vmem>>
      %dma_start3A_109 = tpu.memref_squeeze %dma_start3A_108 : memref<1x128xi32, #tpu.memory_space<vmem>> -> memref<128xi32, #tpu.memory_space<vmem>>
      %dma_start3A_110 = arith.constant 0 : i32
      %dma_start3A_111 = arith.constant 0 : i32
      %dma_start3A_112 = tpu.memref_slice %arg7[%dma_start3A_110, %dma_start3A_111] : memref<10240x8xf32, #tpu.memory_space<vmem_shared>> -> memref<10240x8xf32, #tpu.memory_space<vmem_shared>>
      tpu.enqueue_indirect_dma source(%arg6 : memref<128x8xf32, #tpu.memory_space<vmem>>) target(%dma_start3A_112 : memref<10240x8xf32, #tpu.memory_space<vmem_shared>>) offsets(%dma_start3A_109 : memref<128xi32, #tpu.memory_space<vmem>>) semaphore(%arg8 : memref<!tpu.dma_semaphore, #tpu.memory_space<semaphore_mem>>) {add = true}
      %mul3A_113 = arith.constant 8 : i32
      %mul3A_114 = arith.muli %scan3A_33, %mul3A_113 : i32
      %add3A_115 = arith.constant 0 : i32
      %add3A_116 = arith.addi %mul3A_114, %add3A_115 : i32
      %dma_wait3A = arith.constant 0 : i32
      %dma_wait3A_117 = tpu.memref_slice %arg5[%add3A_116, %dma_wait3A] : memref<80x128xi32, #tpu.memory_space<vmem>> -> memref<1x128xi32, #tpu.memory_space<vmem>>
      %dma_wait3A_118 = tpu.memref_squeeze %dma_wait3A_117 : memref<1x128xi32, #tpu.memory_space<vmem>> -> memref<128xi32, #tpu.memory_space<vmem>>
      %dma_wait3A_119 = arith.constant 0 : i32
      %dma_wait3A_120 = arith.constant 0 : i32
      %dma_wait3A_121 = tpu.memref_slice %arg7[%dma_wait3A_119, %dma_wait3A_120] : memref<10240x8xf32, #tpu.memory_space<vmem_shared>> -> memref<10240x8xf32, #tpu.memory_space<vmem_shared>>
      tpu.wait_indirect_dma semaphore(%arg8 : memref<!tpu.dma_semaphore, #tpu.memory_space<semaphore_mem>>) src(%arg6 : memref<128x8xf32, #tpu.memory_space<vmem>>) dst(%dma_wait3A_121 : memref<10240x8xf32, #tpu.memory_space<vmem_shared>>)
      %mul3A_122 = arith.constant 8 : i32
      %mul3A_123 = arith.muli %scan3A_33, %mul3A_122 : i32
      %add3A_124 = arith.constant 1 : i32
      %add3A_125 = arith.addi %mul3A_123, %add3A_124 : i32
      %dma_wait3A_126 = arith.constant 0 : i32
      %dma_wait3A_127 = tpu.memref_slice %arg5[%add3A_125, %dma_wait3A_126] : memref<80x128xi32, #tpu.memory_space<vmem>> -> memref<1x128xi32, #tpu.memory_space<vmem>>
      %dma_wait3A_128 = tpu.memref_squeeze %dma_wait3A_127 : memref<1x128xi32, #tpu.memory_space<vmem>> -> memref<128xi32, #tpu.memory_space<vmem>>
      %dma_wait3A_129 = arith.constant 0 : i32
      %dma_wait3A_130 = arith.constant 0 : i32
      %dma_wait3A_131 = tpu.memref_slice %arg7[%dma_wait3A_129, %dma_wait3A_130] : memref<10240x8xf32, #tpu.memory_space<vmem_shared>> -> memref<10240x8xf32, #tpu.memory_space<vmem_shared>>
      tpu.wait_indirect_dma semaphore(%arg8 : memref<!tpu.dma_semaphore, #tpu.memory_space<semaphore_mem>>) src(%arg6 : memref<128x8xf32, #tpu.memory_space<vmem>>) dst(%dma_wait3A_131 : memref<10240x8xf32, #tpu.memory_space<vmem_shared>>)
      %mul3A_132 = arith.constant 8 : i32
      %mul3A_133 = arith.muli %scan3A_33, %mul3A_132 : i32
      %add3A_134 = arith.constant 2 : i32
      %add3A_135 = arith.addi %mul3A_133, %add3A_134 : i32
      %dma_wait3A_136 = arith.constant 0 : i32
      %dma_wait3A_137 = tpu.memref_slice %arg5[%add3A_135, %dma_wait3A_136] : memref<80x128xi32, #tpu.memory_space<vmem>> -> memref<1x128xi32, #tpu.memory_space<vmem>>
      %dma_wait3A_138 = tpu.memref_squeeze %dma_wait3A_137 : memref<1x128xi32, #tpu.memory_space<vmem>> -> memref<128xi32, #tpu.memory_space<vmem>>
      %dma_wait3A_139 = arith.constant 0 : i32
      %dma_wait3A_140 = arith.constant 0 : i32
      %dma_wait3A_141 = tpu.memref_slice %arg7[%dma_wait3A_139, %dma_wait3A_140] : memref<10240x8xf32, #tpu.memory_space<vmem_shared>> -> memref<10240x8xf32, #tpu.memory_space<vmem_shared>>
      tpu.wait_indirect_dma semaphore(%arg8 : memref<!tpu.dma_semaphore, #tpu.memory_space<semaphore_mem>>) src(%arg6 : memref<128x8xf32, #tpu.memory_space<vmem>>) dst(%dma_wait3A_141 : memref<10240x8xf32, #tpu.memory_space<vmem_shared>>)
      %mul3A_142 = arith.constant 8 : i32
      %mul3A_143 = arith.muli %scan3A_33, %mul3A_142 : i32
      %add3A_144 = arith.constant 3 : i32
      %add3A_145 = arith.addi %mul3A_143, %add3A_144 : i32
      %dma_wait3A_146 = arith.constant 0 : i32
      %dma_wait3A_147 = tpu.memref_slice %arg5[%add3A_145, %dma_wait3A_146] : memref<80x128xi32, #tpu.memory_space<vmem>> -> memref<1x128xi32, #tpu.memory_space<vmem>>
      %dma_wait3A_148 = tpu.memref_squeeze %dma_wait3A_147 : memref<1x128xi32, #tpu.memory_space<vmem>> -> memref<128xi32, #tpu.memory_space<vmem>>
      %dma_wait3A_149 = arith.constant 0 : i32
      %dma_wait3A_150 = arith.constant 0 : i32
      %dma_wait3A_151 = tpu.memref_slice %arg7[%dma_wait3A_149, %dma_wait3A_150] : memref<10240x8xf32, #tpu.memory_space<vmem_shared>> -> memref<10240x8xf32, #tpu.memory_space<vmem_shared>>
      tpu.wait_indirect_dma semaphore(%arg8 : memref<!tpu.dma_semaphore, #tpu.memory_space<semaphore_mem>>) src(%arg6 : memref<128x8xf32, #tpu.memory_space<vmem>>) dst(%dma_wait3A_151 : memref<10240x8xf32, #tpu.memory_space<vmem_shared>>)
      %mul3A_152 = arith.constant 8 : i32
      %mul3A_153 = arith.muli %scan3A_33, %mul3A_152 : i32
      %add3A_154 = arith.constant 4 : i32
      %add3A_155 = arith.addi %mul3A_153, %add3A_154 : i32
      %dma_wait3A_156 = arith.constant 0 : i32
      %dma_wait3A_157 = tpu.memref_slice %arg5[%add3A_155, %dma_wait3A_156] : memref<80x128xi32, #tpu.memory_space<vmem>> -> memref<1x128xi32, #tpu.memory_space<vmem>>
      %dma_wait3A_158 = tpu.memref_squeeze %dma_wait3A_157 : memref<1x128xi32, #tpu.memory_space<vmem>> -> memref<128xi32, #tpu.memory_space<vmem>>
      %dma_wait3A_159 = arith.constant 0 : i32
      %dma_wait3A_160 = arith.constant 0 : i32
      %dma_wait3A_161 = tpu.memref_slice %arg7[%dma_wait3A_159, %dma_wait3A_160] : memref<10240x8xf32, #tpu.memory_space<vmem_shared>> -> memref<10240x8xf32, #tpu.memory_space<vmem_shared>>
      tpu.wait_indirect_dma semaphore(%arg8 : memref<!tpu.dma_semaphore, #tpu.memory_space<semaphore_mem>>) src(%arg6 : memref<128x8xf32, #tpu.memory_space<vmem>>) dst(%dma_wait3A_161 : memref<10240x8xf32, #tpu.memory_space<vmem_shared>>)
      %mul3A_162 = arith.constant 8 : i32
      %mul3A_163 = arith.muli %scan3A_33, %mul3A_162 : i32
      %add3A_164 = arith.constant 5 : i32
      %add3A_165 = arith.addi %mul3A_163, %add3A_164 : i32
      %dma_wait3A_166 = arith.constant 0 : i32
      %dma_wait3A_167 = tpu.memref_slice %arg5[%add3A_165, %dma_wait3A_166] : memref<80x128xi32, #tpu.memory_space<vmem>> -> memref<1x128xi32, #tpu.memory_space<vmem>>
      %dma_wait3A_168 = tpu.memref_squeeze %dma_wait3A_167 : memref<1x128xi32, #tpu.memory_space<vmem>> -> memref<128xi32, #tpu.memory_space<vmem>>
      %dma_wait3A_169 = arith.constant 0 : i32
      %dma_wait3A_170 = arith.constant 0 : i32
      %dma_wait3A_171 = tpu.memref_slice %arg7[%dma_wait3A_169, %dma_wait3A_170] : memref<10240x8xf32, #tpu.memory_space<vmem_shared>> -> memref<10240x8xf32, #tpu.memory_space<vmem_shared>>
      tpu.wait_indirect_dma semaphore(%arg8 : memref<!tpu.dma_semaphore, #tpu.memory_space<semaphore_mem>>) src(%arg6 : memref<128x8xf32, #tpu.memory_space<vmem>>) dst(%dma_wait3A_171 : memref<10240x8xf32, #tpu.memory_space<vmem_shared>>)
      %mul3A_172 = arith.constant 8 : i32
      %mul3A_173 = arith.muli %scan3A_33, %mul3A_172 : i32
      %add3A_174 = arith.constant 6 : i32
      %add3A_175 = arith.addi %mul3A_173, %add3A_174 : i32
      %dma_wait3A_176 = arith.constant 0 : i32
      %dma_wait3A_177 = tpu.memref_slice %arg5[%add3A_175, %dma_wait3A_176] : memref<80x128xi32, #tpu.memory_space<vmem>> -> memref<1x128xi32, #tpu.memory_space<vmem>>
      %dma_wait3A_178 = tpu.memref_squeeze %dma_wait3A_177 : memref<1x128xi32, #tpu.memory_space<vmem>> -> memref<128xi32, #tpu.memory_space<vmem>>
      %dma_wait3A_179 = arith.constant 0 : i32
      %dma_wait3A_180 = arith.constant 0 : i32
      %dma_wait3A_181 = tpu.memref_slice %arg7[%dma_wait3A_179, %dma_wait3A_180] : memref<10240x8xf32, #tpu.memory_space<vmem_shared>> -> memref<10240x8xf32, #tpu.memory_space<vmem_shared>>
      tpu.wait_indirect_dma semaphore(%arg8 : memref<!tpu.dma_semaphore, #tpu.memory_space<semaphore_mem>>) src(%arg6 : memref<128x8xf32, #tpu.memory_space<vmem>>) dst(%dma_wait3A_181 : memref<10240x8xf32, #tpu.memory_space<vmem_shared>>)
      %mul3A_182 = arith.constant 8 : i32
      %mul3A_183 = arith.muli %scan3A_33, %mul3A_182 : i32
      %add3A_184 = arith.constant 7 : i32
      %add3A_185 = arith.addi %mul3A_183, %add3A_184 : i32
      %dma_wait3A_186 = arith.constant 0 : i32
      %dma_wait3A_187 = tpu.memref_slice %arg5[%add3A_185, %dma_wait3A_186] : memref<80x128xi32, #tpu.memory_space<vmem>> -> memref<1x128xi32, #tpu.memory_space<vmem>>
      %dma_wait3A_188 = tpu.memref_squeeze %dma_wait3A_187 : memref<1x128xi32, #tpu.memory_space<vmem>> -> memref<128xi32, #tpu.memory_space<vmem>>
      %dma_wait3A_189 = arith.constant 0 : i32
      %dma_wait3A_190 = arith.constant 0 : i32
      %dma_wait3A_191 = tpu.memref_slice %arg7[%dma_wait3A_189, %dma_wait3A_190] : memref<10240x8xf32, #tpu.memory_space<vmem_shared>> -> memref<10240x8xf32, #tpu.memory_space<vmem_shared>>
      tpu.wait_indirect_dma semaphore(%arg8 : memref<!tpu.dma_semaphore, #tpu.memory_space<semaphore_mem>>) src(%arg6 : memref<128x8xf32, #tpu.memory_space<vmem>>) dst(%dma_wait3A_191 : memref<10240x8xf32, #tpu.memory_space<vmem_shared>>)
    }
    %scan3A_27 = arith.constant 10 : i32
    %barrier3A_28 = arith.constant 0 : index
    tpu.barrier barrier_id(%barrier3A_28)
    %mul3A_29 = arith.constant 640 : i32
    %mul3A_30 = arith.muli %arg1, %mul3A_29 : i32
    %mul3A_31 = arith.constant 640 : i32
    %mul3A_32 = arith.muli %arg1, %mul3A_31 : i32
    "tpu.region"() ({
      %run_scoped3A_33 = tpu.sem_alloc : memref<!tpu.dma_semaphore, #tpu.memory_space<semaphore_mem>>
      %dma_start3A = arith.constant 0 : i32
      %dma_start3A_34 = tpu.memref_slice %arg4[%arg0, %mul3A_32, %dma_start3A] : memref<2x10240x8xf32, #tpu.memory_space<hbm>> -> memref<1x640x8xf32, #tpu.memory_space<hbm>>
      %dma_start3A_35 = tpu.memref_squeeze %dma_start3A_34 : memref<1x640x8xf32, #tpu.memory_space<hbm>> -> memref<640x8xf32, #tpu.memory_space<hbm>>
      %dma_start3A_36 = arith.constant 0 : i32
      %dma_start3A_37 = tpu.memref_slice %arg7[%mul3A_30, %dma_start3A_36] : memref<10240x8xf32, #tpu.memory_space<vmem_shared>> -> memref<640x8xf32, #tpu.memory_space<vmem_shared>>
      tpu.enqueue_dma source(%dma_start3A_37 : memref<640x8xf32, #tpu.memory_space<vmem_shared>>) target(%dma_start3A_35 : memref<640x8xf32, #tpu.memory_space<hbm>>) target_semaphore(%run_scoped3A_33 : memref<!tpu.dma_semaphore, #tpu.memory_space<semaphore_mem>>)
      %dma_wait3A = arith.constant 0 : i32
      %dma_wait3A_38 = tpu.memref_slice %arg4[%arg0, %mul3A_32, %dma_wait3A] : memref<2x10240x8xf32, #tpu.memory_space<hbm>> -> memref<1x640x8xf32, #tpu.memory_space<hbm>>
      %dma_wait3A_39 = tpu.memref_squeeze %dma_wait3A_38 : memref<1x640x8xf32, #tpu.memory_space<hbm>> -> memref<640x8xf32, #tpu.memory_space<hbm>>
      %dma_wait3A_40 = arith.constant 0 : i32
      %dma_wait3A_41 = tpu.memref_slice %arg7[%mul3A_30, %dma_wait3A_40] : memref<10240x8xf32, #tpu.memory_space<vmem_shared>> -> memref<640x8xf32, #tpu.memory_space<vmem_shared>>
      tpu.wait_dma2 semaphore(%run_scoped3A_33 : memref<!tpu.dma_semaphore, #tpu.memory_space<semaphore_mem>>) src(%dma_wait3A_41 : memref<640x8xf32, #tpu.memory_space<vmem_shared>>) dst(%dma_wait3A_39 : memref<640x8xf32, #tpu.memory_space<hbm>>)
      tpu.yield
    }) : () -> ()
    return
  }
}

#map = affine_map<(d0, d1) -> (0, 0)>
#map1 = affine_map<(d0, d1) -> (0, 0, 0, 0)>
#map2 = affine_map<(d0, d1) -> (0, 0, 0)>
module attributes {stable_mosaic.version = 14 : i64} {
  func.func @agg_kernel(%arg0: i32, %arg1: i32, %arg2: memref<10240x64xf32, #tpu.memory_space<hbm>>, %arg3: memref<2x16x80x128xi32, #tpu.memory_space<hbm>>, %arg4: memref<2x16x80x128xi32, #tpu.memory_space<hbm>>, %arg5: memref<2x10240x64xf32, #tpu.memory_space<hbm>>, %arg6: memref<80x128xi32, #tpu.memory_space<vmem>>, %arg7: memref<80x128xi32, #tpu.memory_space<vmem>>, %arg8: memref<128x64xf32, #tpu.memory_space<vmem>>, %arg9: memref<128x64xf32, #tpu.memory_space<vmem>>, %arg10: memref<128x64xf32, #tpu.memory_space<vmem>>, %arg11: memref<10240x64xf32, #tpu.memory_space<vmem_shared>>, %arg12: memref<10240x64xf32, #tpu.memory_space<vmem_shared>>, %arg13: memref<!tpu.dma_semaphore, #tpu.memory_space<semaphore_mem>>, %arg14: memref<!tpu.dma_semaphore, #tpu.memory_space<semaphore_mem>>, %arg15: memref<!tpu.dma_semaphore, #tpu.memory_space<semaphore_mem>>, %arg16: memref<!tpu.dma_semaphore, #tpu.memory_space<semaphore_mem>>) attributes {dimension_semantics = [#tpu.dimension_semantics<core_parallel>, #tpu.dimension_semantics<subcore_parallel>], iteration_bounds = array<i64: 2, 16>, scalar_prefetch = 0 : i64, scratch_operands = 11 : i64, tpu.core_type = #tpu.core_type<sc_vector_subcore>, window_params = [{transform_indices = #map}, {transform_indices = #map1}, {transform_indices = #map1}, {transform_indices = #map2}]} {
    %scan3A = arith.constant 0 : i32
    %scan3A_0 = arith.constant 0 : i32
    %scan3A_1 = arith.constant 128 : i32
    %scan3A_2 = arith.addi %scan3A_0, %scan3A_1 : i32
    %scan3A_3 = arith.constant 1 : i32
    scf.for %scan3A_51 = %scan3A_0 to %scan3A_2 step %scan3A_3  : i32 {
      %broadcast_in_dim3A = arith.constant 0.000000e+00 : f32
      %broadcast_in_dim3A_52 = vector.broadcast %broadcast_in_dim3A : f32 to vector<16xf32>
      %swap3A = arith.index_cast %scan3A_51 : i32 to index
      %swap3A_53 = arith.constant 0 : index
      %swap3A_54 = tpu.vector_load %arg10[%swap3A, %swap3A_53] {strides = array<i32>} : memref<128x64xf32, #tpu.memory_space<vmem>>, vector<1x16xf32>,
      %swap3A_55 = vector.shape_cast %swap3A_54 : vector<1x16xf32> to vector<16xf32>
      %swap3A_56 = vector.shape_cast %broadcast_in_dim3A_52 : vector<16xf32> to vector<1x16xf32>
      tpu.vector_store %arg10[%swap3A, %swap3A_53], %swap3A_56 {strides = array<i32>} : memref<128x64xf32, #tpu.memory_space<vmem>>, vector<1x16xf32>,
      %broadcast_in_dim3A_57 = arith.constant 0.000000e+00 : f32
      %broadcast_in_dim3A_58 = vector.broadcast %broadcast_in_dim3A_57 : f32 to vector<16xf32>
      %swap3A_59 = arith.index_cast %scan3A_51 : i32 to index
      %swap3A_60 = arith.constant 16 : index
      %swap3A_61 = tpu.vector_load %arg10[%swap3A_59, %swap3A_60] {strides = array<i32>} : memref<128x64xf32, #tpu.memory_space<vmem>>, vector<1x16xf32>,
      %swap3A_62 = vector.shape_cast %swap3A_61 : vector<1x16xf32> to vector<16xf32>
      %swap3A_63 = vector.shape_cast %broadcast_in_dim3A_58 : vector<16xf32> to vector<1x16xf32>
      tpu.vector_store %arg10[%swap3A_59, %swap3A_60], %swap3A_63 {strides = array<i32>} : memref<128x64xf32, #tpu.memory_space<vmem>>, vector<1x16xf32>,
      %broadcast_in_dim3A_64 = arith.constant 0.000000e+00 : f32
      %broadcast_in_dim3A_65 = vector.broadcast %broadcast_in_dim3A_64 : f32 to vector<16xf32>
      %swap3A_66 = arith.index_cast %scan3A_51 : i32 to index
      %swap3A_67 = arith.constant 32 : index
      %swap3A_68 = tpu.vector_load %arg10[%swap3A_66, %swap3A_67] {strides = array<i32>} : memref<128x64xf32, #tpu.memory_space<vmem>>, vector<1x16xf32>,
      %swap3A_69 = vector.shape_cast %swap3A_68 : vector<1x16xf32> to vector<16xf32>
      %swap3A_70 = vector.shape_cast %broadcast_in_dim3A_65 : vector<16xf32> to vector<1x16xf32>
      tpu.vector_store %arg10[%swap3A_66, %swap3A_67], %swap3A_70 {strides = array<i32>} : memref<128x64xf32, #tpu.memory_space<vmem>>, vector<1x16xf32>,
      %broadcast_in_dim3A_71 = arith.constant 0.000000e+00 : f32
      %broadcast_in_dim3A_72 = vector.broadcast %broadcast_in_dim3A_71 : f32 to vector<16xf32>
      %swap3A_73 = arith.index_cast %scan3A_51 : i32 to index
      %swap3A_74 = arith.constant 48 : index
      %swap3A_75 = tpu.vector_load %arg10[%swap3A_73, %swap3A_74] {strides = array<i32>} : memref<128x64xf32, #tpu.memory_space<vmem>>, vector<1x16xf32>,
      %swap3A_76 = vector.shape_cast %swap3A_75 : vector<1x16xf32> to vector<16xf32>
      %swap3A_77 = vector.shape_cast %broadcast_in_dim3A_72 : vector<16xf32> to vector<1x16xf32>
      tpu.vector_store %arg10[%swap3A_73, %swap3A_74], %swap3A_77 {strides = array<i32>} : memref<128x64xf32, #tpu.memory_space<vmem>>, vector<1x16xf32>,
    }
    %scan3A_4 = arith.constant 128 : i32
    %mul3A = arith.constant 640 : i32
    %mul3A_5 = arith.muli %arg1, %mul3A : i32
    %add3A = arith.constant 0 : i32
    %add3A_6 = arith.addi %mul3A_5, %add3A : i32
    "tpu.region"() ({
      %run_scoped3A = tpu.sem_alloc : memref<!tpu.dma_semaphore, #tpu.memory_space<semaphore_mem>>
      %dma_start3A = arith.constant 0 : i32
      %dma_start3A_51 = tpu.memref_slice %arg11[%add3A_6, %dma_start3A] : memref<10240x64xf32, #tpu.memory_space<vmem_shared>> -> memref<128x64xf32, #tpu.memory_space<vmem_shared>>
      %dma_start3A_52 = arith.constant 0 : i32
      %dma_start3A_53 = tpu.memref_slice %arg11[%add3A_6, %dma_start3A_52] : memref<10240x64xf32, #tpu.memory_space<vmem_shared>> -> memref<128x64xf32, #tpu.memory_space<vmem_shared>>
      tpu.enqueue_dma source(%arg10 : memref<128x64xf32, #tpu.memory_space<vmem>>) target(%dma_start3A_53 : memref<128x64xf32, #tpu.memory_space<vmem_shared>>) target_semaphore(%run_scoped3A : memref<!tpu.dma_semaphore, #tpu.memory_space<semaphore_mem>>)
      %dma_wait3A_54 = arith.constant 0 : i32
      %dma_wait3A_55 = tpu.memref_slice %arg11[%add3A_6, %dma_wait3A_54] : memref<10240x64xf32, #tpu.memory_space<vmem_shared>> -> memref<128x64xf32, #tpu.memory_space<vmem_shared>>
      %dma_wait3A_56 = arith.constant 0 : i32
      %dma_wait3A_57 = tpu.memref_slice %arg11[%add3A_6, %dma_wait3A_56] : memref<10240x64xf32, #tpu.memory_space<vmem_shared>> -> memref<128x64xf32, #tpu.memory_space<vmem_shared>>
      tpu.wait_dma2 semaphore(%run_scoped3A : memref<!tpu.dma_semaphore, #tpu.memory_space<semaphore_mem>>) src(%arg10 : memref<128x64xf32, #tpu.memory_space<vmem>>) dst(%dma_wait3A_57 : memref<128x64xf32, #tpu.memory_space<vmem_shared>>)
      tpu.yield
    }) : () -> ()
    %mul3A_7 = arith.constant 640 : i32
    %mul3A_8 = arith.muli %arg1, %mul3A_7 : i32
    %add3A_9 = arith.constant 128 : i32
    %add3A_10 = arith.addi %mul3A_8, %add3A_9 : i32
    "tpu.region"() ({
      %run_scoped3A = tpu.sem_alloc : memref<!tpu.dma_semaphore, #tpu.memory_space<semaphore_mem>>
      %dma_start3A = arith.constant 0 : i32
      %dma_start3A_51 = tpu.memref_slice %arg11[%add3A_10, %dma_start3A] : memref<10240x64xf32, #tpu.memory_space<vmem_shared>> -> memref<128x64xf32, #tpu.memory_space<vmem_shared>>
      %dma_start3A_52 = arith.constant 0 : i32
      %dma_start3A_53 = tpu.memref_slice %arg11[%add3A_10, %dma_start3A_52] : memref<10240x64xf32, #tpu.memory_space<vmem_shared>> -> memref<128x64xf32, #tpu.memory_space<vmem_shared>>
      tpu.enqueue_dma source(%arg10 : memref<128x64xf32, #tpu.memory_space<vmem>>) target(%dma_start3A_53 : memref<128x64xf32, #tpu.memory_space<vmem_shared>>) target_semaphore(%run_scoped3A : memref<!tpu.dma_semaphore, #tpu.memory_space<semaphore_mem>>)
      %dma_wait3A_54 = arith.constant 0 : i32
      %dma_wait3A_55 = tpu.memref_slice %arg11[%add3A_10, %dma_wait3A_54] : memref<10240x64xf32, #tpu.memory_space<vmem_shared>> -> memref<128x64xf32, #tpu.memory_space<vmem_shared>>
      %dma_wait3A_56 = arith.constant 0 : i32
      %dma_wait3A_57 = tpu.memref_slice %arg11[%add3A_10, %dma_wait3A_56] : memref<10240x64xf32, #tpu.memory_space<vmem_shared>> -> memref<128x64xf32, #tpu.memory_space<vmem_shared>>
      tpu.wait_dma2 semaphore(%run_scoped3A : memref<!tpu.dma_semaphore, #tpu.memory_space<semaphore_mem>>) src(%arg10 : memref<128x64xf32, #tpu.memory_space<vmem>>) dst(%dma_wait3A_57 : memref<128x64xf32, #tpu.memory_space<vmem_shared>>)
      tpu.yield
    }) : () -> ()
    %mul3A_11 = arith.constant 640 : i32
    %mul3A_12 = arith.muli %arg1, %mul3A_11 : i32
    %add3A_13 = arith.constant 256 : i32
    %add3A_14 = arith.addi %mul3A_12, %add3A_13 : i32
    "tpu.region"() ({
      %run_scoped3A = tpu.sem_alloc : memref<!tpu.dma_semaphore, #tpu.memory_space<semaphore_mem>>
      %dma_start3A = arith.constant 0 : i32
      %dma_start3A_51 = tpu.memref_slice %arg11[%add3A_14, %dma_start3A] : memref<10240x64xf32, #tpu.memory_space<vmem_shared>> -> memref<128x64xf32, #tpu.memory_space<vmem_shared>>
      %dma_start3A_52 = arith.constant 0 : i32
      %dma_start3A_53 = tpu.memref_slice %arg11[%add3A_14, %dma_start3A_52] : memref<10240x64xf32, #tpu.memory_space<vmem_shared>> -> memref<128x64xf32, #tpu.memory_space<vmem_shared>>
      tpu.enqueue_dma source(%arg10 : memref<128x64xf32, #tpu.memory_space<vmem>>) target(%dma_start3A_53 : memref<128x64xf32, #tpu.memory_space<vmem_shared>>) target_semaphore(%run_scoped3A : memref<!tpu.dma_semaphore, #tpu.memory_space<semaphore_mem>>)
      %dma_wait3A_54 = arith.constant 0 : i32
      %dma_wait3A_55 = tpu.memref_slice %arg11[%add3A_14, %dma_wait3A_54] : memref<10240x64xf32, #tpu.memory_space<vmem_shared>> -> memref<128x64xf32, #tpu.memory_space<vmem_shared>>
      %dma_wait3A_56 = arith.constant 0 : i32
      %dma_wait3A_57 = tpu.memref_slice %arg11[%add3A_14, %dma_wait3A_56] : memref<10240x64xf32, #tpu.memory_space<vmem_shared>> -> memref<128x64xf32, #tpu.memory_space<vmem_shared>>
      tpu.wait_dma2 semaphore(%run_scoped3A : memref<!tpu.dma_semaphore, #tpu.memory_space<semaphore_mem>>) src(%arg10 : memref<128x64xf32, #tpu.memory_space<vmem>>) dst(%dma_wait3A_57 : memref<128x64xf32, #tpu.memory_space<vmem_shared>>)
      tpu.yield
    }) : () -> ()
    %mul3A_15 = arith.constant 640 : i32
    %mul3A_16 = arith.muli %arg1, %mul3A_15 : i32
    %add3A_17 = arith.constant 384 : i32
    %add3A_18 = arith.addi %mul3A_16, %add3A_17 : i32
    "tpu.region"() ({
      %run_scoped3A = tpu.sem_alloc : memref<!tpu.dma_semaphore, #tpu.memory_space<semaphore_mem>>
      %dma_start3A = arith.constant 0 : i32
      %dma_start3A_51 = tpu.memref_slice %arg11[%add3A_18, %dma_start3A] : memref<10240x64xf32, #tpu.memory_space<vmem_shared>> -> memref<128x64xf32, #tpu.memory_space<vmem_shared>>
      %dma_start3A_52 = arith.constant 0 : i32
      %dma_start3A_53 = tpu.memref_slice %arg11[%add3A_18, %dma_start3A_52] : memref<10240x64xf32, #tpu.memory_space<vmem_shared>> -> memref<128x64xf32, #tpu.memory_space<vmem_shared>>
      tpu.enqueue_dma source(%arg10 : memref<128x64xf32, #tpu.memory_space<vmem>>) target(%dma_start3A_53 : memref<128x64xf32, #tpu.memory_space<vmem_shared>>) target_semaphore(%run_scoped3A : memref<!tpu.dma_semaphore, #tpu.memory_space<semaphore_mem>>)
      %dma_wait3A_54 = arith.constant 0 : i32
      %dma_wait3A_55 = tpu.memref_slice %arg11[%add3A_18, %dma_wait3A_54] : memref<10240x64xf32, #tpu.memory_space<vmem_shared>> -> memref<128x64xf32, #tpu.memory_space<vmem_shared>>
      %dma_wait3A_56 = arith.constant 0 : i32
      %dma_wait3A_57 = tpu.memref_slice %arg11[%add3A_18, %dma_wait3A_56] : memref<10240x64xf32, #tpu.memory_space<vmem_shared>> -> memref<128x64xf32, #tpu.memory_space<vmem_shared>>
      tpu.wait_dma2 semaphore(%run_scoped3A : memref<!tpu.dma_semaphore, #tpu.memory_space<semaphore_mem>>) src(%arg10 : memref<128x64xf32, #tpu.memory_space<vmem>>) dst(%dma_wait3A_57 : memref<128x64xf32, #tpu.memory_space<vmem_shared>>)
      tpu.yield
    }) : () -> ()
    %mul3A_19 = arith.constant 640 : i32
    %mul3A_20 = arith.muli %arg1, %mul3A_19 : i32
    %add3A_21 = arith.constant 512 : i32
    %add3A_22 = arith.addi %mul3A_20, %add3A_21 : i32
    "tpu.region"() ({
      %run_scoped3A = tpu.sem_alloc : memref<!tpu.dma_semaphore, #tpu.memory_space<semaphore_mem>>
      %dma_start3A = arith.constant 0 : i32
      %dma_start3A_51 = tpu.memref_slice %arg11[%add3A_22, %dma_start3A] : memref<10240x64xf32, #tpu.memory_space<vmem_shared>> -> memref<128x64xf32, #tpu.memory_space<vmem_shared>>
      %dma_start3A_52 = arith.constant 0 : i32
      %dma_start3A_53 = tpu.memref_slice %arg11[%add3A_22, %dma_start3A_52] : memref<10240x64xf32, #tpu.memory_space<vmem_shared>> -> memref<128x64xf32, #tpu.memory_space<vmem_shared>>
      tpu.enqueue_dma source(%arg10 : memref<128x64xf32, #tpu.memory_space<vmem>>) target(%dma_start3A_53 : memref<128x64xf32, #tpu.memory_space<vmem_shared>>) target_semaphore(%run_scoped3A : memref<!tpu.dma_semaphore, #tpu.memory_space<semaphore_mem>>)
      %dma_wait3A_54 = arith.constant 0 : i32
      %dma_wait3A_55 = tpu.memref_slice %arg11[%add3A_22, %dma_wait3A_54] : memref<10240x64xf32, #tpu.memory_space<vmem_shared>> -> memref<128x64xf32, #tpu.memory_space<vmem_shared>>
      %dma_wait3A_56 = arith.constant 0 : i32
      %dma_wait3A_57 = tpu.memref_slice %arg11[%add3A_22, %dma_wait3A_56] : memref<10240x64xf32, #tpu.memory_space<vmem_shared>> -> memref<128x64xf32, #tpu.memory_space<vmem_shared>>
      tpu.wait_dma2 semaphore(%run_scoped3A : memref<!tpu.dma_semaphore, #tpu.memory_space<semaphore_mem>>) src(%arg10 : memref<128x64xf32, #tpu.memory_space<vmem>>) dst(%dma_wait3A_57 : memref<128x64xf32, #tpu.memory_space<vmem_shared>>)
      tpu.yield
    }) : () -> ()
    %mul3A_23 = arith.constant 640 : i32
    %mul3A_24 = arith.muli %arg1, %mul3A_23 : i32
    %mul3A_25 = arith.constant 640 : i32
    %mul3A_26 = arith.muli %arg1, %mul3A_25 : i32
    "tpu.region"() ({
      %run_scoped3A = tpu.sem_alloc : memref<!tpu.dma_semaphore, #tpu.memory_space<semaphore_mem>>
      %dma_start3A = arith.constant 0 : i32
      %dma_start3A_51 = tpu.memref_slice %arg12[%mul3A_26, %dma_start3A] : memref<10240x64xf32, #tpu.memory_space<vmem_shared>> -> memref<640x64xf32, #tpu.memory_space<vmem_shared>>
      %dma_start3A_52 = arith.constant 0 : i32
      %dma_start3A_53 = tpu.memref_slice %arg2[%mul3A_24, %dma_start3A_52] : memref<10240x64xf32, #tpu.memory_space<hbm>> -> memref<640x64xf32, #tpu.memory_space<hbm>>
      tpu.enqueue_dma source(%dma_start3A_53 : memref<640x64xf32, #tpu.memory_space<hbm>>) target(%dma_start3A_51 : memref<640x64xf32, #tpu.memory_space<vmem_shared>>) target_semaphore(%run_scoped3A : memref<!tpu.dma_semaphore, #tpu.memory_space<semaphore_mem>>)
      %dma_wait3A_54 = arith.constant 0 : i32
      %dma_wait3A_55 = tpu.memref_slice %arg12[%mul3A_26, %dma_wait3A_54] : memref<10240x64xf32, #tpu.memory_space<vmem_shared>> -> memref<640x64xf32, #tpu.memory_space<vmem_shared>>
      %dma_wait3A_56 = arith.constant 0 : i32
      %dma_wait3A_57 = tpu.memref_slice %arg2[%mul3A_24, %dma_wait3A_56] : memref<10240x64xf32, #tpu.memory_space<hbm>> -> memref<640x64xf32, #tpu.memory_space<hbm>>
      tpu.wait_dma2 semaphore(%run_scoped3A : memref<!tpu.dma_semaphore, #tpu.memory_space<semaphore_mem>>) src(%dma_wait3A_57 : memref<640x64xf32, #tpu.memory_space<hbm>>) dst(%dma_wait3A_55 : memref<640x64xf32, #tpu.memory_space<vmem_shared>>)
      tpu.yield
    }) : () -> ()
    %barrier3A = arith.constant 0 : index
    tpu.barrier barrier_id(%barrier3A)
    "tpu.region"() ({
      %run_scoped3A = tpu.sem_alloc : memref<!tpu.dma_semaphore, #tpu.memory_space<semaphore_mem>>
      %dma_start3A = arith.constant 0 : i32
      %dma_start3A_51 = arith.constant 0 : i32
      %dma_start3A_52 = tpu.memref_slice %arg3[%arg0, %arg1, %dma_start3A, %dma_start3A_51] : memref<2x16x80x128xi32, #tpu.memory_space<hbm>> -> memref<1x1x80x128xi32, #tpu.memory_space<hbm>>
      %dma_start3A_53 = tpu.memref_squeeze %dma_start3A_52 : memref<1x1x80x128xi32, #tpu.memory_space<hbm>> -> memref<80x128xi32, #tpu.memory_space<hbm>>
      %dma_start3A_54 = arith.constant 0 : i32
      %dma_start3A_55 = arith.constant 0 : i32
      %dma_start3A_56 = tpu.memref_slice %arg3[%arg0, %arg1, %dma_start3A_54, %dma_start3A_55] : memref<2x16x80x128xi32, #tpu.memory_space<hbm>> -> memref<1x1x80x128xi32, #tpu.memory_space<hbm>>
      %dma_start3A_57 = tpu.memref_squeeze %dma_start3A_56 : memref<1x1x80x128xi32, #tpu.memory_space<hbm>> -> memref<80x128xi32, #tpu.memory_space<hbm>>
      tpu.enqueue_dma source(%dma_start3A_57 : memref<80x128xi32, #tpu.memory_space<hbm>>) target(%arg6 : memref<80x128xi32, #tpu.memory_space<vmem>>) target_semaphore(%run_scoped3A : memref<!tpu.dma_semaphore, #tpu.memory_space<semaphore_mem>>)
      %dma_wait3A_58 = arith.constant 0 : i32
      %dma_wait3A_59 = arith.constant 0 : i32
      %dma_wait3A_60 = tpu.memref_slice %arg3[%arg0, %arg1, %dma_wait3A_58, %dma_wait3A_59] : memref<2x16x80x128xi32, #tpu.memory_space<hbm>> -> memref<1x1x80x128xi32, #tpu.memory_space<hbm>>
      %dma_wait3A_61 = tpu.memref_squeeze %dma_wait3A_60 : memref<1x1x80x128xi32, #tpu.memory_space<hbm>> -> memref<80x128xi32, #tpu.memory_space<hbm>>
      %dma_wait3A_62 = arith.constant 0 : i32
      %dma_wait3A_63 = arith.constant 0 : i32
      %dma_wait3A_64 = tpu.memref_slice %arg3[%arg0, %arg1, %dma_wait3A_62, %dma_wait3A_63] : memref<2x16x80x128xi32, #tpu.memory_space<hbm>> -> memref<1x1x80x128xi32, #tpu.memory_space<hbm>>
      %dma_wait3A_65 = tpu.memref_squeeze %dma_wait3A_64 : memref<1x1x80x128xi32, #tpu.memory_space<hbm>> -> memref<80x128xi32, #tpu.memory_space<hbm>>
      tpu.wait_dma2 semaphore(%run_scoped3A : memref<!tpu.dma_semaphore, #tpu.memory_space<semaphore_mem>>) src(%dma_wait3A_65 : memref<80x128xi32, #tpu.memory_space<hbm>>) dst(%arg6 : memref<80x128xi32, #tpu.memory_space<vmem>>)
      tpu.yield
    }) : () -> ()
    "tpu.region"() ({
      %run_scoped3A = tpu.sem_alloc : memref<!tpu.dma_semaphore, #tpu.memory_space<semaphore_mem>>
      %dma_start3A = arith.constant 0 : i32
      %dma_start3A_51 = arith.constant 0 : i32
      %dma_start3A_52 = tpu.memref_slice %arg4[%arg0, %arg1, %dma_start3A, %dma_start3A_51] : memref<2x16x80x128xi32, #tpu.memory_space<hbm>> -> memref<1x1x80x128xi32, #tpu.memory_space<hbm>>
      %dma_start3A_53 = tpu.memref_squeeze %dma_start3A_52 : memref<1x1x80x128xi32, #tpu.memory_space<hbm>> -> memref<80x128xi32, #tpu.memory_space<hbm>>
      %dma_start3A_54 = arith.constant 0 : i32
      %dma_start3A_55 = arith.constant 0 : i32
      %dma_start3A_56 = tpu.memref_slice %arg4[%arg0, %arg1, %dma_start3A_54, %dma_start3A_55] : memref<2x16x80x128xi32, #tpu.memory_space<hbm>> -> memref<1x1x80x128xi32, #tpu.memory_space<hbm>>
      %dma_start3A_57 = tpu.memref_squeeze %dma_start3A_56 : memref<1x1x80x128xi32, #tpu.memory_space<hbm>> -> memref<80x128xi32, #tpu.memory_space<hbm>>
      tpu.enqueue_dma source(%dma_start3A_57 : memref<80x128xi32, #tpu.memory_space<hbm>>) target(%arg7 : memref<80x128xi32, #tpu.memory_space<vmem>>) target_semaphore(%run_scoped3A : memref<!tpu.dma_semaphore, #tpu.memory_space<semaphore_mem>>)
      %dma_wait3A_58 = arith.constant 0 : i32
      %dma_wait3A_59 = arith.constant 0 : i32
      %dma_wait3A_60 = tpu.memref_slice %arg4[%arg0, %arg1, %dma_wait3A_58, %dma_wait3A_59] : memref<2x16x80x128xi32, #tpu.memory_space<hbm>> -> memref<1x1x80x128xi32, #tpu.memory_space<hbm>>
      %dma_wait3A_61 = tpu.memref_squeeze %dma_wait3A_60 : memref<1x1x80x128xi32, #tpu.memory_space<hbm>> -> memref<80x128xi32, #tpu.memory_space<hbm>>
      %dma_wait3A_62 = arith.constant 0 : i32
      %dma_wait3A_63 = arith.constant 0 : i32
      %dma_wait3A_64 = tpu.memref_slice %arg4[%arg0, %arg1, %dma_wait3A_62, %dma_wait3A_63] : memref<2x16x80x128xi32, #tpu.memory_space<hbm>> -> memref<1x1x80x128xi32, #tpu.memory_space<hbm>>
      %dma_wait3A_65 = tpu.memref_squeeze %dma_wait3A_64 : memref<1x1x80x128xi32, #tpu.memory_space<hbm>> -> memref<80x128xi32, #tpu.memory_space<hbm>>
      tpu.wait_dma2 semaphore(%run_scoped3A : memref<!tpu.dma_semaphore, #tpu.memory_space<semaphore_mem>>) src(%dma_wait3A_65 : memref<80x128xi32, #tpu.memory_space<hbm>>) dst(%arg7 : memref<80x128xi32, #tpu.memory_space<vmem>>)
      tpu.yield
    }) : () -> ()
    %scan3A_27 = arith.constant 0 : i32
    %scan3A_28 = arith.constant 0 : i32
    %scan3A_29 = arith.constant 40 : i32
    %scan3A_30 = arith.addi %scan3A_28, %scan3A_29 : i32
    %scan3A_31 = arith.constant 1 : i32
    scf.for %scan3A_51 = %scan3A_28 to %scan3A_30 step %scan3A_31  : i32 {
      %mul3A_52 = arith.constant 2 : i32
      %mul3A_53 = arith.muli %mul3A_52, %scan3A_51 : i32
      %add3A_54 = arith.constant 0 : i32
      %add3A_55 = arith.addi %mul3A_53, %add3A_54 : i32
      %gt3A = arith.constant 0 : i32
      %gt3A_56 = arith.cmpi sgt, %scan3A_51, %gt3A : i32
      %convert_element_type3A = arith.extui %gt3A_56 : i1 to i32
      %cond3A = arith.constant 0 : i32
      %cond3A_57 = arith.cmpi ne, %convert_element_type3A, %cond3A : i32
      scf.if %cond3A_57 {
        %dma_wait3A_110 = arith.constant 0 : i32
        %dma_wait3A_111 = tpu.memref_slice %arg7[%add3A_55, %dma_wait3A_110] : memref<80x128xi32, #tpu.memory_space<vmem>> -> memref<1x128xi32, #tpu.memory_space<vmem>>
        %dma_wait3A_112 = tpu.memref_squeeze %dma_wait3A_111 : memref<1x128xi32, #tpu.memory_space<vmem>> -> memref<128xi32, #tpu.memory_space<vmem>>
        %dma_wait3A_113 = arith.constant 0 : i32
        %dma_wait3A_114 = arith.constant 0 : i32
        %dma_wait3A_115 = tpu.memref_slice %arg11[%dma_wait3A_113, %dma_wait3A_114] : memref<10240x64xf32, #tpu.memory_space<vmem_shared>> -> memref<10240x64xf32, #tpu.memory_space<vmem_shared>>
        tpu.wait_indirect_dma semaphore(%arg15 : memref<!tpu.dma_semaphore, #tpu.memory_space<semaphore_mem>>) src(%arg8 : memref<128x64xf32, #tpu.memory_space<vmem>>) dst(%dma_wait3A_115 : memref<10240x64xf32, #tpu.memory_space<vmem_shared>>)
      } else {
      }
      %dma_start3A = arith.constant 0 : i32
      %dma_start3A_58 = tpu.memref_slice %arg6[%add3A_55, %dma_start3A] : memref<80x128xi32, #tpu.memory_space<vmem>> -> memref<1x128xi32, #tpu.memory_space<vmem>>
      %dma_start3A_59 = tpu.memref_squeeze %dma_start3A_58 : memref<1x128xi32, #tpu.memory_space<vmem>> -> memref<128xi32, #tpu.memory_space<vmem>>
      %dma_start3A_60 = arith.constant 0 : i32
      %dma_start3A_61 = arith.constant 0 : i32
      %dma_start3A_62 = tpu.memref_slice %arg12[%dma_start3A_60, %dma_start3A_61] : memref<10240x64xf32, #tpu.memory_space<vmem_shared>> -> memref<10240x64xf32, #tpu.memory_space<vmem_shared>>
      tpu.enqueue_indirect_dma source(%dma_start3A_62 : memref<10240x64xf32, #tpu.memory_space<vmem_shared>>) target(%arg8 : memref<128x64xf32, #tpu.memory_space<vmem>>) offsets(%dma_start3A_59 : memref<128xi32, #tpu.memory_space<vmem>>) semaphore(%arg13 : memref<!tpu.dma_semaphore, #tpu.memory_space<semaphore_mem>>)
      %mul3A_63 = arith.constant 2 : i32
      %mul3A_64 = arith.muli %mul3A_63, %scan3A_51 : i32
      %add3A_65 = arith.constant 1 : i32
      %add3A_66 = arith.addi %mul3A_64, %add3A_65 : i32
      %gt3A_67 = arith.constant 0 : i32
      %gt3A_68 = arith.cmpi sgt, %scan3A_51, %gt3A_67 : i32
      %convert_element_type3A_69 = arith.extui %gt3A_68 : i1 to i32
      %cond3A_70 = arith.constant 0 : i32
      %cond3A_71 = arith.cmpi ne, %convert_element_type3A_69, %cond3A_70 : i32
      scf.if %cond3A_71 {
        %dma_wait3A_110 = arith.constant 0 : i32
        %dma_wait3A_111 = tpu.memref_slice %arg7[%add3A_66, %dma_wait3A_110] : memref<80x128xi32, #tpu.memory_space<vmem>> -> memref<1x128xi32, #tpu.memory_space<vmem>>
        %dma_wait3A_112 = tpu.memref_squeeze %dma_wait3A_111 : memref<1x128xi32, #tpu.memory_space<vmem>> -> memref<128xi32, #tpu.memory_space<vmem>>
        %dma_wait3A_113 = arith.constant 0 : i32
        %dma_wait3A_114 = arith.constant 0 : i32
        %dma_wait3A_115 = tpu.memref_slice %arg11[%dma_wait3A_113, %dma_wait3A_114] : memref<10240x64xf32, #tpu.memory_space<vmem_shared>> -> memref<10240x64xf32, #tpu.memory_space<vmem_shared>>
        tpu.wait_indirect_dma semaphore(%arg16 : memref<!tpu.dma_semaphore, #tpu.memory_space<semaphore_mem>>) src(%arg9 : memref<128x64xf32, #tpu.memory_space<vmem>>) dst(%dma_wait3A_115 : memref<10240x64xf32, #tpu.memory_space<vmem_shared>>)
      } else {
      }
      %dma_start3A_72 = arith.constant 0 : i32
      %dma_start3A_73 = tpu.memref_slice %arg6[%add3A_66, %dma_start3A_72] : memref<80x128xi32, #tpu.memory_space<vmem>> -> memref<1x128xi32, #tpu.memory_space<vmem>>
      %dma_start3A_74 = tpu.memref_squeeze %dma_start3A_73 : memref<1x128xi32, #tpu.memory_space<vmem>> -> memref<128xi32, #tpu.memory_space<vmem>>
      %dma_start3A_75 = arith.constant 0 : i32
      %dma_start3A_76 = arith.constant 0 : i32
      %dma_start3A_77 = tpu.memref_slice %arg12[%dma_start3A_75, %dma_start3A_76] : memref<10240x64xf32, #tpu.memory_space<vmem_shared>> -> memref<10240x64xf32, #tpu.memory_space<vmem_shared>>
      tpu.enqueue_indirect_dma source(%dma_start3A_77 : memref<10240x64xf32, #tpu.memory_space<vmem_shared>>) target(%arg9 : memref<128x64xf32, #tpu.memory_space<vmem>>) offsets(%dma_start3A_74 : memref<128xi32, #tpu.memory_space<vmem>>) semaphore(%arg14 : memref<!tpu.dma_semaphore, #tpu.memory_space<semaphore_mem>>)
      %mul3A_78 = arith.constant 2 : i32
      %mul3A_79 = arith.muli %mul3A_78, %scan3A_51 : i32
      %add3A_80 = arith.constant 0 : i32
      %add3A_81 = arith.addi %mul3A_79, %add3A_80 : i32
      %dma_wait3A_82 = arith.constant 0 : i32
      %dma_wait3A_83 = tpu.memref_slice %arg6[%add3A_81, %dma_wait3A_82] : memref<80x128xi32, #tpu.memory_space<vmem>> -> memref<1x128xi32, #tpu.memory_space<vmem>>
      %dma_wait3A_84 = tpu.memref_squeeze %dma_wait3A_83 : memref<1x128xi32, #tpu.memory_space<vmem>> -> memref<128xi32, #tpu.memory_space<vmem>>
      %dma_wait3A_85 = arith.constant 0 : i32
      %dma_wait3A_86 = arith.constant 0 : i32
      %dma_wait3A_87 = tpu.memref_slice %arg12[%dma_wait3A_85, %dma_wait3A_86] : memref<10240x64xf32, #tpu.memory_space<vmem_shared>> -> memref<10240x64xf32, #tpu.memory_space<vmem_shared>>
      tpu.wait_indirect_dma semaphore(%arg13 : memref<!tpu.dma_semaphore, #tpu.memory_space<semaphore_mem>>) src(%dma_wait3A_87 : memref<10240x64xf32, #tpu.memory_space<vmem_shared>>) dst(%arg8 : memref<128x64xf32, #tpu.memory_space<vmem>>)
      %dma_start3A_88 = arith.constant 0 : i32
      %dma_start3A_89 = tpu.memref_slice %arg7[%add3A_81, %dma_start3A_88] : memref<80x128xi32, #tpu.memory_space<vmem>> -> memref<1x128xi32, #tpu.memory_space<vmem>>
      %dma_start3A_90 = tpu.memref_squeeze %dma_start3A_89 : memref<1x128xi32, #tpu.memory_space<vmem>> -> memref<128xi32, #tpu.memory_space<vmem>>
      %dma_start3A_91 = arith.constant 0 : i32
      %dma_start3A_92 = arith.constant 0 : i32
      %dma_start3A_93 = tpu.memref_slice %arg11[%dma_start3A_91, %dma_start3A_92] : memref<10240x64xf32, #tpu.memory_space<vmem_shared>> -> memref<10240x64xf32, #tpu.memory_space<vmem_shared>>
      tpu.enqueue_indirect_dma source(%arg8 : memref<128x64xf32, #tpu.memory_space<vmem>>) target(%dma_start3A_93 : memref<10240x64xf32, #tpu.memory_space<vmem_shared>>) offsets(%dma_start3A_90 : memref<128xi32, #tpu.memory_space<vmem>>) semaphore(%arg15 : memref<!tpu.dma_semaphore, #tpu.memory_space<semaphore_mem>>) {add = true}
      %mul3A_94 = arith.constant 2 : i32
      %mul3A_95 = arith.muli %mul3A_94, %scan3A_51 : i32
      %add3A_96 = arith.constant 1 : i32
      %add3A_97 = arith.addi %mul3A_95, %add3A_96 : i32
      %dma_wait3A_98 = arith.constant 0 : i32
      %dma_wait3A_99 = tpu.memref_slice %arg6[%add3A_97, %dma_wait3A_98] : memref<80x128xi32, #tpu.memory_space<vmem>> -> memref<1x128xi32, #tpu.memory_space<vmem>>
      %dma_wait3A_100 = tpu.memref_squeeze %dma_wait3A_99 : memref<1x128xi32, #tpu.memory_space<vmem>> -> memref<128xi32, #tpu.memory_space<vmem>>
      %dma_wait3A_101 = arith.constant 0 : i32
      %dma_wait3A_102 = arith.constant 0 : i32
      %dma_wait3A_103 = tpu.memref_slice %arg12[%dma_wait3A_101, %dma_wait3A_102] : memref<10240x64xf32, #tpu.memory_space<vmem_shared>> -> memref<10240x64xf32, #tpu.memory_space<vmem_shared>>
      tpu.wait_indirect_dma semaphore(%arg14 : memref<!tpu.dma_semaphore, #tpu.memory_space<semaphore_mem>>) src(%dma_wait3A_103 : memref<10240x64xf32, #tpu.memory_space<vmem_shared>>) dst(%arg9 : memref<128x64xf32, #tpu.memory_space<vmem>>)
      %dma_start3A_104 = arith.constant 0 : i32
      %dma_start3A_105 = tpu.memref_slice %arg7[%add3A_97, %dma_start3A_104] : memref<80x128xi32, #tpu.memory_space<vmem>> -> memref<1x128xi32, #tpu.memory_space<vmem>>
      %dma_start3A_106 = tpu.memref_squeeze %dma_start3A_105 : memref<1x128xi32, #tpu.memory_space<vmem>> -> memref<128xi32, #tpu.memory_space<vmem>>
      %dma_start3A_107 = arith.constant 0 : i32
      %dma_start3A_108 = arith.constant 0 : i32
      %dma_start3A_109 = tpu.memref_slice %arg11[%dma_start3A_107, %dma_start3A_108] : memref<10240x64xf32, #tpu.memory_space<vmem_shared>> -> memref<10240x64xf32, #tpu.memory_space<vmem_shared>>
      tpu.enqueue_indirect_dma source(%arg9 : memref<128x64xf32, #tpu.memory_space<vmem>>) target(%dma_start3A_109 : memref<10240x64xf32, #tpu.memory_space<vmem_shared>>) offsets(%dma_start3A_106 : memref<128xi32, #tpu.memory_space<vmem>>) semaphore(%arg16 : memref<!tpu.dma_semaphore, #tpu.memory_space<semaphore_mem>>) {add = true}
    }
    %scan3A_32 = arith.constant 40 : i32
    %dma_wait3A = arith.constant 0 : i32
    %dma_wait3A_33 = arith.constant 0 : i32
    %dma_wait3A_34 = tpu.memref_slice %arg7[%dma_wait3A, %dma_wait3A_33] : memref<80x128xi32, #tpu.memory_space<vmem>> -> memref<1x128xi32, #tpu.memory_space<vmem>>
    %dma_wait3A_35 = tpu.memref_squeeze %dma_wait3A_34 : memref<1x128xi32, #tpu.memory_space<vmem>> -> memref<128xi32, #tpu.memory_space<vmem>>
    %dma_wait3A_36 = arith.constant 0 : i32
    %dma_wait3A_37 = arith.constant 0 : i32
    %dma_wait3A_38 = tpu.memref_slice %arg11[%dma_wait3A_36, %dma_wait3A_37] : memref<10240x64xf32, #tpu.memory_space<vmem_shared>> -> memref<10240x64xf32, #tpu.memory_space<vmem_shared>>
    tpu.wait_indirect_dma semaphore(%arg15 : memref<!tpu.dma_semaphore, #tpu.memory_space<semaphore_mem>>) src(%arg8 : memref<128x64xf32, #tpu.memory_space<vmem>>) dst(%dma_wait3A_38 : memref<10240x64xf32, #tpu.memory_space<vmem_shared>>)
    %dma_wait3A_39 = arith.constant 0 : i32
    %dma_wait3A_40 = arith.constant 0 : i32
    %dma_wait3A_41 = tpu.memref_slice %arg7[%dma_wait3A_39, %dma_wait3A_40] : memref<80x128xi32, #tpu.memory_space<vmem>> -> memref<1x128xi32, #tpu.memory_space<vmem>>
    %dma_wait3A_42 = tpu.memref_squeeze %dma_wait3A_41 : memref<1x128xi32, #tpu.memory_space<vmem>> -> memref<128xi32, #tpu.memory_space<vmem>>
    %dma_wait3A_43 = arith.constant 0 : i32
    %dma_wait3A_44 = arith.constant 0 : i32
    %dma_wait3A_45 = tpu.memref_slice %arg11[%dma_wait3A_43, %dma_wait3A_44] : memref<10240x64xf32, #tpu.memory_space<vmem_shared>> -> memref<10240x64xf32, #tpu.memory_space<vmem_shared>>
    tpu.wait_indirect_dma semaphore(%arg16 : memref<!tpu.dma_semaphore, #tpu.memory_space<semaphore_mem>>) src(%arg9 : memref<128x64xf32, #tpu.memory_space<vmem>>) dst(%dma_wait3A_45 : memref<10240x64xf32, #tpu.memory_space<vmem_shared>>)
    %barrier3A_46 = arith.constant 0 : index
    tpu.barrier barrier_id(%barrier3A_46)
    %mul3A_47 = arith.constant 640 : i32
    %mul3A_48 = arith.muli %arg1, %mul3A_47 : i32
    %mul3A_49 = arith.constant 640 : i32
    %mul3A_50 = arith.muli %arg1, %mul3A_49 : i32
    "tpu.region"() ({
      %run_scoped3A = tpu.sem_alloc : memref<!tpu.dma_semaphore, #tpu.memory_space<semaphore_mem>>
      %dma_start3A = arith.constant 0 : i32
      %dma_start3A_51 = tpu.memref_slice %arg5[%arg0, %mul3A_50, %dma_start3A] : memref<2x10240x64xf32, #tpu.memory_space<hbm>> -> memref<1x640x64xf32, #tpu.memory_space<hbm>>
      %dma_start3A_52 = tpu.memref_squeeze %dma_start3A_51 : memref<1x640x64xf32, #tpu.memory_space<hbm>> -> memref<640x64xf32, #tpu.memory_space<hbm>>
      %dma_start3A_53 = arith.constant 0 : i32
      %dma_start3A_54 = tpu.memref_slice %arg11[%mul3A_48, %dma_start3A_53] : memref<10240x64xf32, #tpu.memory_space<vmem_shared>> -> memref<640x64xf32, #tpu.memory_space<vmem_shared>>
      tpu.enqueue_dma source(%dma_start3A_54 : memref<640x64xf32, #tpu.memory_space<vmem_shared>>) target(%dma_start3A_52 : memref<640x64xf32, #tpu.memory_space<hbm>>) target_semaphore(%run_scoped3A : memref<!tpu.dma_semaphore, #tpu.memory_space<semaphore_mem>>)
      %dma_wait3A_55 = arith.constant 0 : i32
      %dma_wait3A_56 = tpu.memref_slice %arg5[%arg0, %mul3A_50, %dma_wait3A_55] : memref<2x10240x64xf32, #tpu.memory_space<hbm>> -> memref<1x640x64xf32, #tpu.memory_space<hbm>>
      %dma_wait3A_57 = tpu.memref_squeeze %dma_wait3A_56 : memref<1x640x64xf32, #tpu.memory_space<hbm>> -> memref<640x64xf32, #tpu.memory_space<hbm>>
      %dma_wait3A_58 = arith.constant 0 : i32
      %dma_wait3A_59 = tpu.memref_slice %arg11[%mul3A_48, %dma_wait3A_58] : memref<10240x64xf32, #tpu.memory_space<vmem_shared>> -> memref<640x64xf32, #tpu.memory_space<vmem_shared>>
      tpu.wait_dma2 semaphore(%run_scoped3A : memref<!tpu.dma_semaphore, #tpu.memory_space<semaphore_mem>>) src(%dma_wait3A_59 : memref<640x64xf32, #tpu.memory_space<vmem_shared>>) dst(%dma_wait3A_57 : memref<640x64xf32, #tpu.memory_space<hbm>>)
      tpu.yield
    }) : () -> ()
    return
  }
}

module attributes {stable_mosaic.version = 14 : i64} {
  func.func @_first_body(%arg0: i32, %arg1: memref<512x256xf32, #tpu.memory_space<vmem>>, %arg2: memref<2x512x16xf32, #tpu.memory_space<vmem>>, %arg3: memref<256x128xf32, #tpu.memory_space<vmem>>, %arg4: memref<512x128xf32, #tpu.memory_space<vmem>>, %arg5: memref<512x128xf32, #tpu.memory_space<vmem>>) attributes {dimension_semantics = [#tpu.dimension_semantics<arbitrary>], iteration_bounds = array<i64: 10>, scalar_prefetch = 0 : i64, scratch_operands = 0 : i64, tpu.core_type = #tpu.core_type<tc>, window_params = [{transform_indices = @transform_0, window_bounds = array<i64: 512, 256>}, {transform_indices = @transform_1, window_bounds = array<i64: 2, 512, 16>}, {pipeline_mode = #tpu.pipeline_mode<synchronous>, transform_indices = @transform_2, window_bounds = array<i64: 256, 128>}, {transform_indices = @transform_3, window_bounds = array<i64: 512, 128>}, {transform_indices = @transform_4, window_bounds = array<i64: 512, 128>}]} {
    %get3A = arith.constant 0 : index
    %get3A_0 = arith.constant 0 : index
    %get3A_1 = arith.constant 0 : index
    %get3A_2 = vector.load %arg2[%get3A, %get3A_0, %get3A_1] : memref<2x512x16xf32, #tpu.memory_space<vmem>>, vector<1x512x16xf32>
    %get3A_3 = vector.shape_cast %get3A_2 : vector<1x512x16xf32> to vector<512x16xf32>
    %get3A_4 = arith.constant 1 : index
    %get3A_5 = arith.constant 0 : index
    %get3A_6 = arith.constant 0 : index
    %get3A_7 = vector.load %arg2[%get3A_4, %get3A_5, %get3A_6] : memref<2x512x16xf32, #tpu.memory_space<vmem>>, vector<1x512x16xf32>
    %get3A_8 = vector.shape_cast %get3A_7 : vector<1x512x16xf32> to vector<512x16xf32>
    %add3A = arith.addf %get3A_3, %get3A_8 : vector<512x16xf32>
    %add3A_9 = arith.constant 1.000000e+00 : f32
    %add3A_10 = vector.broadcast %add3A_9 : f32 to vector<512x16xf32>
    %add3A_11 = arith.addf %add3A, %add3A_10 : vector<512x16xf32>
    %sqrt3A = math.sqrt %add3A_11 : vector<512x16xf32>
    %div3A = arith.constant 1.000000e+00 : f32
    %div3A_12 = vector.broadcast %div3A : f32 to vector<512x16xf32>
    %div3A_13 = arith.divf %div3A_12, %sqrt3A : vector<512x16xf32>
    %slice3A = vector.extract_strided_slice %div3A_13 {offsets = [0, 0], sizes = [512, 1], strides = [1, 1]} : vector<512x16xf32> to vector<512x1xf32>
    %broadcast_in_dim3A = vector.shape_cast %slice3A : vector<512x1xf32> to vector<512x1xf32>
    %broadcast_in_dim3A_14 = vector.broadcast %broadcast_in_dim3A : vector<512x1xf32> to vector<512x64xf32>
    %slice3A_15 = vector.extract_strided_slice %div3A_13 {offsets = [0, 8], sizes = [512, 1], strides = [1, 1]} : vector<512x16xf32> to vector<512x1xf32>
    %broadcast_in_dim3A_16 = vector.shape_cast %slice3A_15 : vector<512x1xf32> to vector<512x1xf32>
    %broadcast_in_dim3A_17 = vector.broadcast %broadcast_in_dim3A_16 : vector<512x1xf32> to vector<512x64xf32>
    %concatenate3A = tpu.concatenate %broadcast_in_dim3A_14, %broadcast_in_dim3A_17 in 1 : vector<512x64xf32>, vector<512x64xf32> -> vector<512x128xf32>
    %get3A_18 = arith.constant 0 : index
    %get3A_19 = arith.constant 0 : index
    %get3A_20 = vector.load %arg1[%get3A_18, %get3A_19] : memref<512x256xf32, #tpu.memory_space<vmem>>, vector<512x256xf32>
    %get3A_21 = arith.constant 0 : index
    %get3A_22 = arith.constant 0 : index
    %get3A_23 = vector.load %arg3[%get3A_21, %get3A_22] : memref<256x128xf32, #tpu.memory_space<vmem>>, vector<256x128xf32>
    %convert_element_type3A = arith.truncf %get3A_20 : vector<512x256xf32> to vector<512x256xbf16>
    %convert_element_type3A_24 = arith.truncf %get3A_23 : vector<256x128xf32> to vector<256x128xbf16>
    %dot_general3A = arith.constant dense<0.000000e+00> : vector<512x128xf32>
    %dot_general3A_25 = tpu.matmul %convert_element_type3A, %convert_element_type3A_24, %dot_general3A {dimension_numbers = #tpu.dot_dimension_numbers<[1], [0], [0], [1], [0, 0, 1, 1], [], []>, transpose_lhs_hint = false} : vector<512x256xbf16>, vector<256x128xbf16>, vector<512x128xf32> -> vector<512x128xf32>
    %mul3A = arith.mulf %dot_general3A_25, %concatenate3A : vector<512x128xf32>
    %swap3A = arith.constant 0 : index
    %swap3A_26 = arith.constant 0 : index
    %swap3A_27 = vector.load %arg4[%swap3A, %swap3A_26] : memref<512x128xf32, #tpu.memory_space<vmem>>, vector<512x128xf32>
    tpu.vector_store %arg4[%swap3A, %swap3A_26], %mul3A {strides = array<i32>} : memref<512x128xf32, #tpu.memory_space<vmem>>, vector<512x128xf32>,
    %swap3A_28 = arith.constant 0 : index
    %swap3A_29 = arith.constant 0 : index
    %swap3A_30 = vector.load %arg5[%swap3A_28, %swap3A_29] : memref<512x128xf32, #tpu.memory_space<vmem>>, vector<512x128xf32>
    tpu.vector_store %arg5[%swap3A_28, %swap3A_29], %concatenate3A {strides = array<i32>} : memref<512x128xf32, #tpu.memory_space<vmem>>, vector<512x128xf32>,
    return
  }
  func.func @transform_0(%arg0: i32) -> (i32, i32) {
    %c0_i32 = arith.constant 0 : i32
    %c0_i32_0 = arith.constant 0 : i32
    return %arg0, %c0_i32 : i32, i32
  }
  func.func @transform_1(%arg0: i32) -> (i32, i32, i32) {
    %c0_i32 = arith.constant 0 : i32
    %c0_i32_0 = arith.constant 0 : i32
    %c0_i32_1 = arith.constant 0 : i32
    return %c0_i32, %arg0, %c0_i32_0 : i32, i32, i32
  }
  func.func @transform_2(%arg0: i32) -> (i32, i32) {
    %c0_i32 = arith.constant 0 : i32
    %c0_i32_0 = arith.constant 0 : i32
    %c0_i32_1 = arith.constant 0 : i32
    return %c0_i32, %c0_i32_0 : i32, i32
  }
  func.func @transform_3(%arg0: i32) -> (i32, i32) {
    %c0_i32 = arith.constant 0 : i32
    %c0_i32_0 = arith.constant 0 : i32
    return %arg0, %c0_i32 : i32, i32
  }
  func.func @transform_4(%arg0: i32) -> (i32, i32) {
    %c0_i32 = arith.constant 0 : i32
    %c0_i32_0 = arith.constant 0 : i32
    return %arg0, %c0_i32 : i32, i32
  }
}

module attributes {stable_mosaic.version = 14 : i64} {
  func.func @_mid_body(%arg0: i32, %arg1: memref<2x512x128xf32, #tpu.memory_space<vmem>>, %arg2: memref<512x128xf32, #tpu.memory_space<vmem>>, %arg3: memref<512x128xf32, #tpu.memory_space<vmem>>, %arg4: memref<128x128xf32, #tpu.memory_space<vmem>>, %arg5: memref<1x128xf32, #tpu.memory_space<vmem>>, %arg6: memref<512x128xf32, #tpu.memory_space<vmem>>) attributes {dimension_semantics = [#tpu.dimension_semantics<arbitrary>], iteration_bounds = array<i64: 10>, scalar_prefetch = 0 : i64, scratch_operands = 0 : i64, tpu.core_type = #tpu.core_type<tc>, window_params = [{transform_indices = @transform_0, window_bounds = array<i64: 2, 512, 128>}, {transform_indices = @transform_1, window_bounds = array<i64: 512, 128>}, {transform_indices = @transform_2, window_bounds = array<i64: 512, 128>}, {pipeline_mode = #tpu.pipeline_mode<synchronous>, transform_indices = @transform_3, window_bounds = array<i64: 128, 128>}, {pipeline_mode = #tpu.pipeline_mode<synchronous>, transform_indices = @transform_4, window_bounds = array<i64: 1, 128>}, {transform_indices = @transform_5, window_bounds = array<i64: 512, 128>}]} {
    %get3A = arith.constant 0 : index
    %get3A_0 = arith.constant 0 : index
    %get3A_1 = vector.load %arg3[%get3A, %get3A_0] : memref<512x128xf32, #tpu.memory_space<vmem>>, vector<512x128xf32>
    %get3A_2 = arith.constant 0 : index
    %get3A_3 = arith.constant 0 : index
    %get3A_4 = arith.constant 0 : index
    %get3A_5 = vector.load %arg1[%get3A_2, %get3A_3, %get3A_4] : memref<2x512x128xf32, #tpu.memory_space<vmem>>, vector<1x512x128xf32>
    %get3A_6 = vector.shape_cast %get3A_5 : vector<1x512x128xf32> to vector<512x128xf32>
    %get3A_7 = arith.constant 1 : index
    %get3A_8 = arith.constant 0 : index
    %get3A_9 = arith.constant 0 : index
    %get3A_10 = vector.load %arg1[%get3A_7, %get3A_8, %get3A_9] : memref<2x512x128xf32, #tpu.memory_space<vmem>>, vector<1x512x128xf32>
    %get3A_11 = vector.shape_cast %get3A_10 : vector<1x512x128xf32> to vector<512x128xf32>
    %add3A = arith.addf %get3A_6, %get3A_11 : vector<512x128xf32>
    %get3A_12 = arith.constant 0 : index
    %get3A_13 = arith.constant 0 : index
    %get3A_14 = vector.load %arg2[%get3A_12, %get3A_13] : memref<512x128xf32, #tpu.memory_space<vmem>>, vector<512x128xf32>
    %add3A_15 = arith.addf %add3A, %get3A_14 : vector<512x128xf32>
    %mul3A = arith.mulf %add3A_15, %get3A_1 : vector<512x128xf32>
    %get3A_16 = arith.constant 0 : index
    %get3A_17 = arith.constant 0 : index
    %get3A_18 = vector.load %arg5[%get3A_16, %get3A_17] : memref<1x128xf32, #tpu.memory_space<vmem>>, vector<1x128xf32>
    %add3A_19 = vector.broadcast %get3A_18 : vector<1x128xf32> to vector<512x128xf32>
    %add3A_20 = arith.addf %mul3A, %add3A_19 : vector<512x128xf32>
    %max3A = arith.constant 0.000000e+00 : f32
    %max3A_21 = vector.broadcast %max3A : f32 to vector<512x128xf32>
    %max3A_22 = arith.maximumf %add3A_20, %max3A_21 : vector<512x128xf32>
    %get3A_23 = arith.constant 0 : index
    %get3A_24 = arith.constant 0 : index
    %get3A_25 = vector.load %arg4[%get3A_23, %get3A_24] : memref<128x128xf32, #tpu.memory_space<vmem>>, vector<128x128xf32>
    %convert_element_type3A = arith.truncf %max3A_22 : vector<512x128xf32> to vector<512x128xbf16>
    %convert_element_type3A_26 = arith.truncf %get3A_25 : vector<128x128xf32> to vector<128x128xbf16>
    %dot_general3A = arith.constant dense<0.000000e+00> : vector<512x128xf32>
    %dot_general3A_27 = tpu.matmul %convert_element_type3A, %convert_element_type3A_26, %dot_general3A {dimension_numbers = #tpu.dot_dimension_numbers<[1], [0], [0], [1], [0, 0, 1, 1], [], []>, transpose_lhs_hint = false} : vector<512x128xbf16>, vector<128x128xbf16>, vector<512x128xf32> -> vector<512x128xf32>
    %mul3A_28 = arith.mulf %dot_general3A_27, %get3A_1 : vector<512x128xf32>
    %mul3A_29 = arith.constant 512 : i32
    %mul3A_30 = arith.muli %arg0, %mul3A_29 : i32
    %iota3A = tpu.iota {dimensions = array<i32: 0>} : vector<512x1xi32>
    %add3A_31 = vector.broadcast %mul3A_30 : i32 to vector<512x1xi32>
    %add3A_32 = arith.addi %add3A_31, %iota3A : vector<512x1xi32>
    %lt3A = arith.constant 5000 : i32
    %lt3A_33 = vector.broadcast %lt3A : i32 to vector<512x1xi32>
    %lt3A_34 = arith.cmpi slt, %add3A_32, %lt3A_33 : vector<512x1xi32>
    %jit3A = arith.constant 0.000000e+00 : f32
    %broadcast_in_dim3A = vector.shape_cast %lt3A_34 : vector<512x1xi1> to vector<512x1xi1>
    %broadcast_in_dim3A_35 = vector.broadcast %broadcast_in_dim3A : vector<512x1xi1> to vector<512x128xi1>
    %broadcast_in_dim3A_36 = vector.broadcast %jit3A : f32 to vector<512x128xf32>
    %select_n3A = arith.select %broadcast_in_dim3A_35, %mul3A_28, %broadcast_in_dim3A_36 : vector<512x128xi1>, vector<512x128xf32>
    %swap3A = arith.constant 0 : index
    %swap3A_37 = arith.constant 0 : index
    %swap3A_38 = vector.load %arg6[%swap3A, %swap3A_37] : memref<512x128xf32, #tpu.memory_space<vmem>>, vector<512x128xf32>
    tpu.vector_store %arg6[%swap3A, %swap3A_37], %select_n3A {strides = array<i32>} : memref<512x128xf32, #tpu.memory_space<vmem>>, vector<512x128xf32>,
    return
  }
  func.func @transform_0(%arg0: i32) -> (i32, i32, i32) {
    %c0_i32 = arith.constant 0 : i32
    %c0_i32_0 = arith.constant 0 : i32
    %c0_i32_1 = arith.constant 0 : i32
    return %c0_i32, %arg0, %c0_i32_0 : i32, i32, i32
  }
  func.func @transform_1(%arg0: i32) -> (i32, i32) {
    %c0_i32 = arith.constant 0 : i32
    %c0_i32_0 = arith.constant 0 : i32
    return %arg0, %c0_i32 : i32, i32
  }
  func.func @transform_2(%arg0: i32) -> (i32, i32) {
    %c0_i32 = arith.constant 0 : i32
    %c0_i32_0 = arith.constant 0 : i32
    return %arg0, %c0_i32 : i32, i32
  }
  func.func @transform_3(%arg0: i32) -> (i32, i32) {
    %c0_i32 = arith.constant 0 : i32
    %c0_i32_0 = arith.constant 0 : i32
    %c0_i32_1 = arith.constant 0 : i32
    return %c0_i32, %c0_i32_0 : i32, i32
  }
  func.func @transform_4(%arg0: i32) -> (i32, i32) {
    %c0_i32 = arith.constant 0 : i32
    %c0_i32_0 = arith.constant 0 : i32
    %c0_i32_1 = arith.constant 0 : i32
    return %c0_i32, %c0_i32_0 : i32, i32
  }
  func.func @transform_5(%arg0: i32) -> (i32, i32) {
    %c0_i32 = arith.constant 0 : i32
    %c0_i32_0 = arith.constant 0 : i32
    return %arg0, %c0_i32 : i32, i32
  }
}

module attributes {stable_mosaic.version = 14 : i64} {
  func.func @_final_body(%arg0: i32, %arg1: memref<2x512x128xf32, #tpu.memory_space<vmem>>, %arg2: memref<512x128xf32, #tpu.memory_space<vmem>>, %arg3: memref<512x128xf32, #tpu.memory_space<vmem>>, %arg4: memref<1x128xf32, #tpu.memory_space<vmem>>, %arg5: memref<1x128xf32, #tpu.memory_space<vmem>>, %arg6: memref<1x128xf32, #tpu.memory_space<vmem>>, %arg7: memref<512x2xf32, #tpu.memory_space<vmem>>) attributes {dimension_semantics = [#tpu.dimension_semantics<arbitrary>], iteration_bounds = array<i64: 10>, scalar_prefetch = 0 : i64, scratch_operands = 0 : i64, tpu.core_type = #tpu.core_type<tc>, window_params = [{transform_indices = @transform_0, window_bounds = array<i64: 2, 512, 128>}, {transform_indices = @transform_1, window_bounds = array<i64: 512, 128>}, {transform_indices = @transform_2, window_bounds = array<i64: 512, 128>}, {pipeline_mode = #tpu.pipeline_mode<synchronous>, transform_indices = @transform_3, window_bounds = array<i64: 1, 128>}, {pipeline_mode = #tpu.pipeline_mode<synchronous>, transform_indices = @transform_4, window_bounds = array<i64: 1, 128>}, {pipeline_mode = #tpu.pipeline_mode<synchronous>, transform_indices = @transform_5, window_bounds = array<i64: 1, 128>}, {transform_indices = @transform_6, window_bounds = array<i64: 512, 2>}]} {
    %get3A = arith.constant 0 : index
    %get3A_0 = arith.constant 0 : index
    %get3A_1 = arith.constant 0 : index
    %get3A_2 = vector.load %arg1[%get3A, %get3A_0, %get3A_1] : memref<2x512x128xf32, #tpu.memory_space<vmem>>, vector<1x512x128xf32>
    %get3A_3 = vector.shape_cast %get3A_2 : vector<1x512x128xf32> to vector<512x128xf32>
    %get3A_4 = arith.constant 1 : index
    %get3A_5 = arith.constant 0 : index
    %get3A_6 = arith.constant 0 : index
    %get3A_7 = vector.load %arg1[%get3A_4, %get3A_5, %get3A_6] : memref<2x512x128xf32, #tpu.memory_space<vmem>>, vector<1x512x128xf32>
    %get3A_8 = vector.shape_cast %get3A_7 : vector<1x512x128xf32> to vector<512x128xf32>
    %add3A = arith.addf %get3A_3, %get3A_8 : vector<512x128xf32>
    %get3A_9 = arith.constant 0 : index
    %get3A_10 = arith.constant 0 : index
    %get3A_11 = vector.load %arg2[%get3A_9, %get3A_10] : memref<512x128xf32, #tpu.memory_space<vmem>>, vector<512x128xf32>
    %add3A_12 = arith.addf %add3A, %get3A_11 : vector<512x128xf32>
    %get3A_13 = arith.constant 0 : index
    %get3A_14 = arith.constant 0 : index
    %get3A_15 = vector.load %arg3[%get3A_13, %get3A_14] : memref<512x128xf32, #tpu.memory_space<vmem>>, vector<512x128xf32>
    %mul3A = arith.mulf %add3A_12, %get3A_15 : vector<512x128xf32>
    %get3A_16 = arith.constant 0 : index
    %get3A_17 = arith.constant 0 : index
    %get3A_18 = vector.load %arg4[%get3A_16, %get3A_17] : memref<1x128xf32, #tpu.memory_space<vmem>>, vector<1x128xf32>
    %add3A_19 = vector.broadcast %get3A_18 : vector<1x128xf32> to vector<512x128xf32>
    %add3A_20 = arith.addf %mul3A, %add3A_19 : vector<512x128xf32>
    %max3A = arith.constant 0.000000e+00 : f32
    %max3A_21 = vector.broadcast %max3A : f32 to vector<512x128xf32>
    %max3A_22 = arith.maximumf %add3A_20, %max3A_21 : vector<512x128xf32>
    %convert_element_type3A = arith.truncf %max3A_22 : vector<512x128xf32> to vector<512x128xbf16>
    %convert_element_type3A_23 = arith.extf %convert_element_type3A : vector<512x128xbf16> to vector<512x128xf32>
    %get3A_24 = arith.constant 0 : index
    %get3A_25 = arith.constant 0 : index
    %get3A_26 = vector.load %arg5[%get3A_24, %get3A_25] : memref<1x128xf32, #tpu.memory_space<vmem>>, vector<1x128xf32>
    %convert_element_type3A_27 = arith.truncf %get3A_26 : vector<1x128xf32> to vector<1x128xbf16>
    %convert_element_type3A_28 = arith.extf %convert_element_type3A_27 : vector<1x128xbf16> to vector<1x128xf32>
    %mul3A_29 = vector.broadcast %convert_element_type3A_28 : vector<1x128xf32> to vector<512x128xf32>
    %mul3A_30 = arith.mulf %convert_element_type3A_23, %mul3A_29 : vector<512x128xf32>
    %slice3A = vector.extract_strided_slice %mul3A_30 {offsets = [0, 0], sizes = [512, 64], strides = [1, 1]} : vector<512x128xf32> to vector<512x64xf32>
    %reduce_sum3A = arith.constant dense<0.000000e+00> : vector<512xf32>
    %reduce_sum3A_31 = vector.multi_reduction <add>, %slice3A, %reduce_sum3A [1] : vector<512x64xf32> to vector<512xf32>
    %broadcast_in_dim3A = vector.shape_cast %reduce_sum3A_31 : vector<512xf32> to vector<512x1xf32>
    %slice3A_32 = vector.extract_strided_slice %mul3A_30 {offsets = [0, 64], sizes = [512, 64], strides = [1, 1]} : vector<512x128xf32> to vector<512x64xf32>
    %reduce_sum3A_33 = arith.constant dense<0.000000e+00> : vector<512xf32>
    %reduce_sum3A_34 = vector.multi_reduction <add>, %slice3A_32, %reduce_sum3A_33 [1] : vector<512x64xf32> to vector<512xf32>
    %broadcast_in_dim3A_35 = vector.shape_cast %reduce_sum3A_34 : vector<512xf32> to vector<512x1xf32>
    %concatenate3A = tpu.concatenate %broadcast_in_dim3A, %broadcast_in_dim3A_35 in 1 : vector<512x1xf32>, vector<512x1xf32> -> vector<512x2xf32>
    %get3A_36 = arith.constant 0 : index
    %get3A_37 = arith.constant 0 : index
    %get3A_38 = vector.load %arg6[%get3A_36, %get3A_37] : memref<1x128xf32, #tpu.memory_space<vmem>>, vector<1x1xf32>
    %get3A_39 = vector.extract %get3A_38[0, 0] : f32 from vector<1x1xf32>
    %add3A_40 = vector.broadcast %get3A_39 : f32 to vector<512x2xf32>
    %add3A_41 = arith.addf %concatenate3A, %add3A_40 : vector<512x2xf32>
    %swap3A = arith.constant 0 : index
    %swap3A_42 = arith.constant 0 : index
    %swap3A_43 = vector.load %arg7[%swap3A, %swap3A_42] : memref<512x2xf32, #tpu.memory_space<vmem>>, vector<512x2xf32>
    tpu.vector_store %arg7[%swap3A, %swap3A_42], %add3A_41 {strides = array<i32>} : memref<512x2xf32, #tpu.memory_space<vmem>>, vector<512x2xf32>,
    return
  }
  func.func @transform_0(%arg0: i32) -> (i32, i32, i32) {
    %c0_i32 = arith.constant 0 : i32
    %c0_i32_0 = arith.constant 0 : i32
    %c0_i32_1 = arith.constant 0 : i32
    return %c0_i32, %arg0, %c0_i32_0 : i32, i32, i32
  }
  func.func @transform_1(%arg0: i32) -> (i32, i32) {
    %c0_i32 = arith.constant 0 : i32
    %c0_i32_0 = arith.constant 0 : i32
    return %arg0, %c0_i32 : i32, i32
  }
  func.func @transform_2(%arg0: i32) -> (i32, i32) {
    %c0_i32 = arith.constant 0 : i32
    %c0_i32_0 = arith.constant 0 : i32
    return %arg0, %c0_i32 : i32, i32
  }
  func.func @transform_3(%arg0: i32) -> (i32, i32) {
    %c0_i32 = arith.constant 0 : i32
    %c0_i32_0 = arith.constant 0 : i32
    %c0_i32_1 = arith.constant 0 : i32
    return %c0_i32, %c0_i32_0 : i32, i32
  }
  func.func @transform_4(%arg0: i32) -> (i32, i32) {
    %c0_i32 = arith.constant 0 : i32
    %c0_i32_0 = arith.constant 0 : i32
    %c0_i32_1 = arith.constant 0 : i32
    return %c0_i32, %c0_i32_0 : i32, i32
  }
  func.func @transform_5(%arg0: i32) -> (i32, i32) {
    %c0_i32 = arith.constant 0 : i32
    %c0_i32_0 = arith.constant 0 : i32
    %c0_i32_1 = arith.constant 0 : i32
    return %c0_i32, %c0_i32_0 : i32, i32
  }
  func.func @transform_6(%arg0: i32) -> (i32, i32) {
    %c0_i32 = arith.constant 0 : i32
    %c0_i32_0 = arith.constant 0 : i32
    return %arg0, %c0_i32 : i32, i32
  }
}

</mosaic_0001>

<sc_bundles>
// kernel: kernel.11.cloned.1.call-start
scs
__scs_entry_jumppad:
0x0: {  	(pc) =	sbr.rel $0x88, $3  }
0x1: {  	(tag) =	ssettag $0x0;
	lr =	simm.s32 $0x1  }
0x2: {  	[smem:$0x3F99] =	sst lr;
	_ =	strace $0xD0000000  }
0x3: {  	_ = 	snop  }
0x4: {  	_ = 	snop  }
0x5: {  	_ = 	snop  }
0x6: {  	_ = 	snop  }
0x7: {  	_ = 	snop  }
__scs_overlays_trampoline_lowered:
0x8: {  	[smem:$0x3FA8] =	sst s0  }
0x9: {  	[smem:$0x3FA9] =	sst s1  }
0xa: {  	[smem:$0x3FAA] =	sst s2  }
0xb: {  	[smem:$0x3FAB] =	sst s3  }
0xc: {  	[smem:$0x3FAC] =	sst s4  }
0xd: {  	[smem:$0x3FAD] =	sst s5  }
0xe: {  	[smem:$0x3FAE] =	sst s6  }
0xf: {  	[smem:$0x3FAF] =	sst s7  }
0x10: {  	[smem:$0x3FB0] =	sst s8  }
0x11: {  	[smem:$0x3FB1] =	sst s9;
	s0 =	simm.s32 @!p0 $0x0  }
0x12: {  	s1 =	sld [smem:$0x3F97];
	s0 =	simm.s32 @p0 $0x1  }
0x13: {  	[smem:$0x3FB2] =	sst s0;
	s0 =	simm.s32 @!p1 $0x0  }
0x14: {  	s2 =	sld [smem:$0x3F96];
	s0 =	simm.s32 @p1 $0x1  }
0x15: {  	[smem:$0x3FB3] =	sst s0;
	s0 =	simm.s32 @!p2 $0x0  }
0x16: {  	s3 =	sld [smem:$0x3FDB];
	s0 =	simm.s32 @p2 $0x1  }
0x17: {  	s4 =	simm.s32 $0x1BF5;
	[smem:$0x3FB5] =	sst s0  }
0x18: {  	s0 =	sld [smem:$0x3F98];
	_ =	swait.ge [sflag:s4], $0x0  }
0x19: {  	s7 =	sld [smem:$0x3F99]  }
0x1a: {  	s8 =	sadd.s32 $0xFFFFE003, lr  }
0x1b: {  	s9 =	sadd.s32 $0xFFFFFEF7, lr;
	s5 =	simm.s32 $0xFFFFFFFF;
	p2 =	slt.u32 s8, $0xFFFFF086  }
0x1c: {  	p1 =	slt.u32 s9, $0xF7A;
	s5 =	simm.s32 @!p2 $0x0  }
0x1d: {  	s5 =	simm.s32 @p1 $0x1;
	p0 =	seq.s32 s7, s2  }
0x1e: {  	s7 =	smul.u32 @!p0 $0xF7A, s2;
	p2 =	seq.s32 @!p0 s5, $0x0  }
0x1f: {  	s9 =	smul.u32 $0xF7A, s1;
	s8 =	simm.s32 @!p0 $0x1BF5;
	p2 =	por !p2, p0  }
0x20: {  	[sflag:s8] =	ssyncset.s32 @!p0 $0xFFFFF086;
	s6 =	sadd.s32 @!p0 s3, s7;
	s7 =	simm.s32 @!p0 $0x108  }
0x21: {  	s3 =	sadd.s32 s3, s9;
	s6 =	sadd.s32 @!p0 $0x88, s6;
	s7 =	simm.s32 @p2 $0x1082  }
0x22: {  	[simem:s7], [sflag:s8] =	dma.local @!p0 [hbm:s6], $0xF7A  }
0x23: {  	s9 =	sor.u32 $0xD0000000, s2;
	s6 =	simm.s32 $0x108;
	_ =	swait.ge @!p0 [sflag:s8], $0x0  }
0x24: {  	s3 =	sadd.s32 $0x88, s3;
	s6 =	simm.s32 @!p1 $0x1082;
	[sflag:s4] =	ssyncset.s32 $0xFFFFF086  }
0x25: {  	[simem:s6], [sflag:s4] =	dma.local [hbm:s3], $0xF7A  }
0x26: {  	[smem:$0x3F99] =	sst s1;
	(tag) =	ssettag s2;
	_ =	strace s9  }
0x27: {  	s1 =	sld [smem:$0x3FA9]  }
0x28: {  	s2 =	sld [smem:$0x3FAA]  }
0x29: {  	s4 =	sld [smem:$0x3FAC]  }
0x2a: {  	p0 =	seq.s32 s5, $0x0;
	s5 =	sld [smem:$0x3FAD]  }
0x2b: {  	s6 =	sld [smem:$0x3FAE]  }
0x2c: {  	s7 =	sld [smem:$0x3FAF]  }
0x2d: {  	s3 =	simm.s32 $0x108;
	s8 =	sld [smem:$0x3FB0]  }
0x2e: {  	s3 =	simm.s32 @!p0 $0x1082;
	s9 =	sld [smem:$0x3FB1]  }
0x2f: {  	lr =	sadd.s32 s0, s3;
	s0 =	sld [smem:$0x3FA8]  }
0x30: {  	s3 =	sld [smem:$0x3FAB]  }
0x31: {  	[smem:$0x3FB4] =	sst s10  }
0x32: {  	s10 =	sld [smem:$0x3FB2];
	_ =	sdelay $0x3  }
0x33: {  	p0 =	seq.s32 s10, $0x1;
	s10 =	sld [smem:$0x3FB4];
	_ =	sdelay $0x3  }
0x34: {  	[smem:$0x3FB4] =	sst s10  }
0x35: {  	s10 =	sld [smem:$0x3FB3];
	_ =	sdelay $0x3  }
0x36: {  	p1 =	seq.s32 s10, $0x1;
	s10 =	sld [smem:$0x3FB4];
	_ =	sdelay $0x3  }
0x37: {  	[smem:$0x3FB4] =	sst s10  }
0x38: {  	s10 =	sld [smem:$0x3FB5]  }
0x39: {  	_ = 	snop;
	(pc) =	sbr.ind lr, $3  }
0x3a: {  	_ = 	snop  }
0x3b: {  	_ = 	snop  }
0x3c: {  	p2 =	seq.s32 s10, $0x1;
	s10 =	sld [smem:$0x3FB4]  }
0x3d: {  	_ =	shalt  }
0x3e: {  	_ =	shalt  }
0x3f: {  	_ =	shalt  }
0x40: {  	_ =	shalt  }
0x41: {  	_ =	shalt  }
0x42: {  	_ =	shalt  }
0x43: {  	_ =	shalt  }
0x44: {  	_ =	shalt  }
0x45: {  	_ =	shalt  }
0x46: {  	_ =	shalt  }
0x47: {  	_ =	shalt  }
0x48: {  	_ =	shalt  }
0x49: {  	_ =	shalt  }
0x4a: {  	_ =	shalt  }
0x4b: {  	_ =	shalt  }
0x4c: {  	_ =	shalt  }
0x4d: {  	_ =	shalt  }
0x4e: {  	_ =	shalt  }
0x4f: {  	_ =	shalt  }
0x50: {  	_ =	shalt  }
0x51: {  	_ =	shalt  }
0x52: {  	_ =	shalt  }
0x53: {  	_ =	shalt  }
0x54: {  	_ =	shalt  }
0x55: {  	_ =	shalt  }
0x56: {  	_ =	shalt  }
0x57: {  	_ =	shalt  }
0x58: {  	_ =	shalt  }
0x59: {  	_ =	shalt  }
0x5a: {  	_ =	shalt  }
0x5b: {  	_ =	shalt  }
0x5c: {  	_ =	shalt  }
0x5d: {  	_ =	shalt  }
0x5e: {  	_ =	shalt  }
0x5f: {  	_ =	shalt  }
0x60: {  	_ =	shalt  }
0x61: {  	_ =	shalt  }
0x62: {  	_ =	shalt  }
0x63: {  	_ =	shalt  }
0x64: {  	_ =	shalt  }
0x65: {  	_ =	shalt  }
0x66: {  	_ =	shalt  }
0x67: {  	_ =	shalt  }
0x68: {  	_ =	shalt  }
0x69: {  	_ =	shalt  }
0x6a: {  	_ =	shalt  }
0x6b: {  	_ =	shalt  }
0x6c: {  	_ =	shalt  }
0x6d: {  	_ =	shalt  }
0x6e: {  	_ =	shalt  }
0x6f: {  	_ =	shalt  }
0x70: {  	_ =	shalt  }
0x71: {  	_ =	shalt  }
0x72: {  	_ =	shalt  }
0x73: {  	_ =	shalt  }
0x74: {  	_ =	shalt  }
0x75: {  	_ =	shalt  }
0x76: {  	_ =	shalt  }
0x77: {  	_ =	shalt  }
0x78: {  	_ =	shalt  }
0x79: {  	_ =	shalt  }
0x7a: {  	_ =	shalt  }
0x7b: {  	_ =	shalt  }
0x7c: {  	_ =	shalt  }
0x7d: {  	_ =	shalt  }
0x7e: {  	_ =	shalt  }
0x7f: {  	_ =	shalt  }
0x80: {  	_ =	shalt  }
0x81: {  	_ =	shalt  }
0x82: {  	_ =	shalt  }
0x83: {  	_ =	shalt  }
0x84: {  	_ =	shalt  }
0x85: {  	_ =	shalt  }
0x86: {  	_ =	shalt  }
0x87: {  	_ =	shalt  }
.Lfunc_end0:
.L_simem_size_0:
called_computation.1_lowered:
.L_overlay_start_0:
0x88: {  	s2 =	sld [smem:$0x3FD9]  }
0x89: {  	s3 =	sld [smem:$0x3FFE];
	_ =	sdelay $0x1  }
0x8a: {  	s1 =	srdreg.scid  }
0x8b: {  	s0 =	sand.u32 $0x1, s1  }
0x8c: {  	s16 =	sshll.u32 s0, $0xA;
	s2 =	sadd.s32 s3, s2  }
0x8d: {  	s2 =	sadd.s32 s2, s16  }
0x8e: {  	[smem:$0x3FC0] =	sst s2  }
0x8f: {  	_ = 	snop  }
0x90: {  	(tm) =	ssettm $0x1  }
0x91: {  	s17 =	sld [smem:$0x3FFB];
	_ =	sdelay $0x3  }
0x92: {  	_ =	strace s17  }
0x93: {  	s2 =	sld [smem:$0x3FFC];
	_ =	sdelay $0x3  }
0x94: {  	_ =	strace s2  }
0x95: {  	s2 =	sld [smem:$0x3FFD];
	_ =	sdelay $0x3  }
0x96: {  	_ =	strace s2  }
0x97: {  	_ =	strace $0x8FFFFFFF  }
0x98: {  	s18 =	sld [smem:$0x3FDB];
	_ =	sdelay $0x1  }
0x99: {  	s19 =	simm.s32 $_scs_section_size  }
0x9a: {  	s4 =	simm.s32 $_size__tile_overlayer_lowered;
	s5 =	simm.s32 $_tile_overlayer_lowered  }
0x9b: {  	s22 =	simm.s32 $0x1BFF;
	s21 =	sshll.u32 s5, $0x1;
	s2 =	sadd.s32 s19, s18  }
0x9c: {  	s6 =	simm.s32 $0x0;
	s20 =	sshll.u32 s4, $0x1;
	s4 =	sadd.s32 s21, s2  }
0x9d: {  	[timem:s6], [sflag:s22] =	dma.local [hbm:s4], s20  }
0x9e: {  	_ =	swait.ge [sflag:s22], s20  }
0x9f: {  	s3 =	ssub.s32 $0x0, s20;
	[sflag:s22] =	ssyncset.done $0x0  }
0xa0: {  	[sflag:s22] =	ssyncadd.s32 s3;
	_ =	sdelay $0x1  }
0xa1: {  	s23 =	simm.s32 $0x1B8B  }
0xa2: {  	_ =	swait.ge [sflag:s23], $0x1  }
0xa3: {  	[sflag:s23] =	ssyncset.done $0x0  }
0xa4: {  	s25 =	simm.s32 $0x1B8E;
	s24 =	sld [smem:$0x3FFE];
	[sflag:s23] =	ssyncadd.s32 $0xFFFFFFFF  }
0xa5: {  	s26 =	simm.s32 $execute0_lowered;
	[smem:$0x3FD2] =	sst s25  }
0xa6: {  	s4 =	sshll.u32 s26, $0x1;
	_ =	strace $0x80000049;
	[dreg:$0x1] =	wrdreg $0xFFFFFFFF  }
0xa7: {  	s28 =	simm.s32 $_size_execute0_lowered;
	s2 =	sadd.s32 s2, s4;
	[dreg:$0x0] =	wrdreg $0x0  }
0xa8: {  	s4 =	sshll.u32 s28, $0x1;
	[dreg:$0x2] =	wrdreg s2  }
0xa9: {  	[dreg:$0x3] =	wrdreg s4  }
0xaa: {  	[dreg:$0x4] =	wrdreg $0xC0  }
0xab: {  	_ =	task [dreg:s6], $0x5FFFF  }
0xac: {  	[dreg:$0x1] =	wrdreg $0xFFFFFFFF  }
0xad: {  	[dreg:$0x0] =	wrdreg $0x60  }
0xae: {  	[dreg:$0x2] =	wrdreg s24  }
0xaf: {  	[dreg:$0x3] =	wrdreg $0xB0000  }
0xb0: {  	[dreg:$0x4] =	wrdreg $0x150000  }
0xb1: {  	[dreg:$0x5] =	wrdreg $0x9  }
0xb2: {  	_ =	task.clear_ibuf [dreg:s6], $0x6FFFF;
	_ =	strace $0x90000049  }
0xb3: {  	s29 =	simm.s32 $0x9;
	_ =	strace $0x8000004B  }
0xb4: {  	_ =	swait.ge [sflag:s29], $0x1  }
0xb5: {  	[sflag:s29] =	ssyncadd.s32 $0xFFFFFFFF  }
0xb6: {  	_ =	strace $0x9000004B  }
0xb7: {  	_ =	sfence  }
0xb8: {  	s30 =	sld [smem:$0x0];
	_ =	sdelay $0x2  }
0xb9: {  	s31 =	sshll.u32 s1, $0xD;
	s1 =	sshrl.u32 s1, $0x2  }
0xba: {  	s3 =	sand.u32 $0x4000, s31;
	s1 =	sadd.s32 s1, s30  }
0xbb: {  	s0 =	sor.u32 s3, s0;
	s1 =	sshll.u32 s1, $0x11  }
0xbc: {  	s0 =	sor.u32 s1, s0  }
0xbd: {  	s0 =	sadd.s32 $0x8F2B, s0  }
0xbe: {  	[sflag:s0] =	ssyncadd.remote.s32 $0x1  }
0xbf: {  	_ =	sfence.sel $0xFFFF  }
0xc0: {  	[dreg:$0x0] =	wrdreg $0xFFFFFFFF;
	(pc) =	sbr.abs _section_cstart, $3  }
0xc1: {  	[dreg:$0x1] =	wrdreg $0xFFFFFFFF  }
0xc2: {  	_ =	task.clear_ibuf [dreg:s6], $0x2FFFF;
	_ =	strace $0x9FFFFFFF  }
0xc3: {  	(tm) =	ssettm $0x7FFFFFFF  }
tec
execute0_lowered:
.L_overlay_start_1:
0x0: {  	(tag) =	ssettag $0x1  }
0x1: {  	s5 =	rddreg [dreg:$0x0]  }
0x2: {  	s2 =	rddreg [dreg:$0x1];
	s0 =	srdreg.scid  }
0x3: {  	s3 =	rddreg [dreg:$0x2];
	s1 =	stileid.u32  }
0x4: {  	s4 =	simm.s32 $0x0;
	s16 =	simm.s32 $0x5;
	s19 =	simm.s32 $0x2800  }
0x5: {  	s20 =	simm.s32 $0x80;
	s21 =	simm.s32 $0x5000;
	s8 =	smul.u32 $0x2800, s1  }
0x6: {  	s22 =	simm.s32 $0x7000;
	s23 =	simm.s32 $0x1;
	s10 =	smul.u32 $0xA000, s1  }
0x7: {  	s28 =	simm.s32 $0x4;
	s6 =	sand.u32 $0x1, s0;
	s11 =	smul.u32 $0x28000, s1  }
0x8: {  	s29 =	simm.s32 $0x0;
	[smem:$0x7FF] =	sst s4;
	s7 =	smul.u32 $0x28000, s6  }
0x9: {  	s17 =	sshll.u32 s1, $0x6;
	_ =	strace $0x8000004A;
	s24 =	smul.u32 $0xA0000, s6  }
0xa: {  	s6 =	ssub.s32 $0x2, s6;
	s17 =	sor.u32 $0x1C05, s17;
	s9 =	sshrl.u32 s10, $0x3  }
0xb: {  	s26 =	sshrl.u32 s11, $0x2;
	s30 =	sshrl.u32 s6, $0x1;
	s18 =	sadd.s32 s10, s3  }
0xc: {  	s7 =	sadd.s32 s8, s7;
	s12 =	sadd.s32 s9, s5;
	s25 =	sadd.s32 s10, s24  }
0xd: {  	s31 =	sadd.s32 s26, s2;
	s15 =	ssub.s32 s6, s30;
	s18 =	sshrl.u32 s18, $0x3  }
0xe: {  	s24 =	simm.s32 $0x2;
	s26 =	simm.s32 $0x3;
	s7 =	sshrl.u32 s7, $0x3  }
0xf: {  	s6 =	sadd.s32 $0x2000, s31;
	s8 =	sadd.s32 $0x6000, s31;
	s9 =	sadd.s32 $0x8000, s31  }
0x10: {  	s13 =	sadd.s32 s7, s5;
	s7 =	sshrl.u32 s25, $0x3;
	s25 =	simm.s32 $0x2880  }
0x11: {  	s14 =	sadd.s32 s7, s5;
	s5 =	sadd.s32 s10, s2;
	s7 =	sadd.s32 $0x4000, s31  }
0x12: {  	s10 =	sadd.s32 $0x16A00, s12;
	s11 =	sadd.s32 $0x2A00, s13;
	s12 =	sadd.s32 $0xCA00, s13  }
0x13: {  	v0 =	vimm.f32 $0.0e+00;
	s13 =	sadd.s32 $0x2AA00, s14;
	s14 =	smax.u32 s15, $0x1;
	s15 =	simm.s32 $0x9000  }
.LBB2_1:
0x14: {  	s31 =	simm.s32 $0x100;
	s30 =	simm.s32 $0x0  }
.LBB2_2:
0x15: {  	p0 =	sne.s32 s31, $0x7F00;
	[tilespmem:s30+$0x9030] =	vst v0;
	s0 =	smov.u32 s31;
	s31 =	sadd.s32 $0x100, s31  }
.Ltmp0:
0x16: {  	[tilespmem:s30+$0x9020] =	vst v0;
	(pc) =	sbr.rel @p0 .LBB2_2-.Ltmp0, $3  }
0x17: {  	[tilespmem:s30+$0x9000] =	vst v0  }
0x18: {  	[tilespmem:s30+$0x9010] =	vst v0;
	_ =	sdelay $0x1  }
0x19: {  	s30 =	sshra.s32 s0, $0x2  }
0x1a: {  	[tilespmem:s30+$0x9030] =	vst v0  }
0x1b: {  	[tilespmem:s30+$0x9020] =	vst v0  }
0x1c: {  	[tilespmem:s30+$0x9000] =	vst v0  }
0x1d: {  	[tilespmem:s30+$0x9010] =	vst v0  }
0x1e: {  	[spmem:s5] =	stream.linear.scatter [tilespmem:s15], [sflag:$0x5], $0x2000, $0x38;
	[tilespmem:$0x1F000] =	vst v63  }
0x1f: {  	_ =	swait.ge [sflag:s16], $0x2000  }
0x20: {  	[sflag:s16] =	ssyncset.done $0x0  }
0x21: {  	[sflag:s16] =	ssyncadd.s32 $0xFFFFE000  }
0x22: {  	[spmem:s6] =	stream.linear.scatter [tilespmem:s15], [sflag:$0x5], $0x2000, $0x38;
	[tilespmem:$0x1F000] =	vst v63  }
0x23: {  	_ =	swait.ge [sflag:s16], $0x2000  }
0x24: {  	[sflag:s16] =	ssyncset.done $0x0  }
0x25: {  	[sflag:s16] =	ssyncadd.s32 $0xFFFFE000  }
0x26: {  	[spmem:s7] =	stream.linear.scatter [tilespmem:s15], [sflag:$0x5], $0x2000, $0x38;
	[tilespmem:$0x1F000] =	vst v63  }
0x27: {  	_ =	swait.ge [sflag:s16], $0x2000  }
0x28: {  	[sflag:s16] =	ssyncset.done $0x0  }
0x29: {  	[sflag:s16] =	ssyncadd.s32 $0xFFFFE000  }
0x2a: {  	[spmem:s8] =	stream.linear.scatter [tilespmem:s15], [sflag:$0x5], $0x2000, $0x38;
	[tilespmem:$0x1F000] =	vst v63  }
0x2b: {  	_ =	swait.ge [sflag:s16], $0x2000  }
0x2c: {  	[sflag:s16] =	ssyncset.done $0x0  }
0x2d: {  	[sflag:s16] =	ssyncadd.s32 $0xFFFFE000  }
0x2e: {  	[spmem:s9] =	stream.linear.scatter [tilespmem:s15], [sflag:$0x5], $0x2000, $0x38;
	[tilespmem:$0x1F000] =	vst v63  }
0x2f: {  	_ =	swait.ge [sflag:s16], $0x2000  }
0x30: {  	[sflag:s16] =	ssyncset.done $0x0  }
0x31: {  	[sflag:s16] =	ssyncadd.s32 $0xFFFFE000  }
0x32: {  	[spmem:s18], [sflag:s17] =	dma.local [hbm:s10], $0x1400  }
0x33: {  	_ =	swait.ge [sflag:s16], $0x1400  }
0x34: {  	[sflag:s16] =	ssyncset.done $0x0  }
0x35: {  	[sflag:s16] =	ssyncadd.s32 $0xFFFFEC00  }
0x36: {  	[bflag:$0x0] =	sbarrier.arrive $0xFFFF  }
0x37: {  	[tilespmem:s4], [sflag:$0x5] =	stream.linear.gather [hbm4b:s11+s4], $0x2800, $0x38;
	[tilespmem:$0x1F000] =	vst v63  }
0x38: {  	_ =	swait.ge [sflag:s16], $0x2800  }
0x39: {  	[sflag:s16] =	ssyncset.done $0x0  }
0x3a: {  	[sflag:s16] =	ssyncadd.s32 $0xFFFFD800  }
0x3b: {  	[tilespmem:s19], [sflag:$0x5] =	stream.linear.gather [hbm4b:s12+s4], $0x2800, $0x38;
	[tilespmem:$0x1F000] =	vst v63  }
0x3c: {  	_ =	swait.ge [sflag:s16], $0x2800  }
0x3d: {  	[sflag:s16] =	ssyncset.done $0x0  }
0x3e: {  	[sflag:s16] =	ssyncadd.s32 $0xFFFFD800  }
0x3f: {  	[tilespmem:s21], [sflag:$0x1] =	stream.indirect.gather [spmem:s3], $0x40, s4, s20, $0xb8;
	[tilespmem:$0x1F000] =	vst v63  }
0x40: {  	_ = 	snop  }
0x41: {  	[tilespmem:s22], [sflag:$0x2] =	stream.indirect.gather [spmem:s3], $0x40, s20, s20, $0xb8;
	[tilespmem:$0x1F000] =	vst v63  }
0x42: {  	_ =	swait.ge [sflag:s23], $0x2000  }
0x43: {  	[sflag:s23] =	ssyncset.done $0x0  }
0x44: {  	[sflag:s23] =	ssyncadd.s32 $0xFFFFE000  }
0x45: {  	[spmem:s2] =	stream.indirect.scatter.add.f32 [tilespmem:s21], [sflag:$0x3], $0x40, s19, s20, $0xb8;
	[tilespmem:$0x1F000] =	vst v63  }
0x46: {  	_ =	swait.ge [sflag:s24], $0x2000  }
0x47: {  	[sflag:s24] =	ssyncset.done $0x0  }
0x48: {  	[sflag:s24] =	ssyncadd.s32 $0xFFFFE000  }
0x49: {  	[spmem:s2] =	stream.indirect.scatter.add.f32 [tilespmem:s22], [sflag:$0x4], $0x40, s25, s20, $0xb8;
	[tilespmem:$0x1F000] =	vst v63  }
0x4a: {  	_ =	swait.ge [sflag:s26], $0x2000  }
0x4b: {  	[sflag:s26] =	ssyncset.done $0x0  }
0x4c: {  	s0 =	simm.s32 $0x100;
	[sflag:s26] =	ssyncadd.s32 $0xFFFFE000  }
0x4d: {  	[tilespmem:s21], [sflag:$0x1] =	stream.indirect.gather [spmem:s3], $0x40, s0, s20, $0xb8;
	[tilespmem:$0x1F000] =	vst v63  }
0x4e: {  	_ =	swait.ge [sflag:s28], $0x2000  }
0x4f: {  	[sflag:s28] =	ssyncset.done $0x0  }
0x50: {  	s0 =	simm.s32 $0x180;
	[sflag:s28] =	ssyncadd.s32 $0xFFFFE000  }
0x51: {  	[tilespmem:s22], [sflag:$0x2] =	stream.indirect.gather [spmem:s3], $0x40, s0, s20, $0xb8;
	[tilespmem:$0x1F000] =	vst v63  }
0x52: {  	_ =	swait.ge [sflag:s23], $0x2000  }
0x53: {  	[sflag:s23] =	ssyncset.done $0x0  }
0x54: {  	s0 =	simm.s32 $0x2900;
	[sflag:s23] =	ssyncadd.s32 $0xFFFFE000  }
0x55: {  	[spmem:s2] =	stream.indirect.scatter.add.f32 [tilespmem:s21], [sflag:$0x3], $0x40, s0, s20, $0xb8;
	[tilespmem:$0x1F000] =	vst v63  }
0x56: {  	_ =	swait.ge [sflag:s24], $0x2000  }
0x57: {  	[sflag:s24] =	ssyncset.done $0x0  }
0x58: {  	s30 =	simm.s32 $0xFFFF6800;
	s31 =	simm.s32 $0x2980;
	[sflag:s24] =	ssyncadd.s32 $0xFFFFE000  }
.LBB2_4:
0x59: {  	[spmem:s2] =	stream.indirect.scatter.add.f32 [tilespmem:s22], [sflag:$0x4], $0x40, s31, s20, $0xb8;
	[tilespmem:$0x1F000] =	vst v63  }
0x5a: {  	s0 =	smov.u32 s30  }
0x5b: {  	p0 =	sne.s32 s30, $0xFFFFFC00;
	s30 =	sadd.s32 $0x400, s30;
	_ =	swait.ge [sflag:s26], $0x2000  }
0x5c: {  	s0 =	sshra.s32 s0, $0x2;
	[sflag:s26] =	ssyncset.done $0x0  }
0x5d: {  	s31 =	sadd.s32 $0x2800, s0;
	[sflag:s26] =	ssyncadd.s32 $0xFFFFE000  }
0x5e: {  	[tilespmem:s21], [sflag:$0x1] =	stream.indirect.gather [spmem:s3], $0x40, s31, s20, $0xb8;
	[tilespmem:$0x1F000] =	vst v63  }
0x5f: {  	_ =	swait.ge [sflag:s28], $0x2000  }
0x60: {  	[sflag:s28] =	ssyncset.done $0x0  }
0x61: {  	s31 =	sadd.s32 $0x2880, s0;
	[sflag:s28] =	ssyncadd.s32 $0xFFFFE000  }
0x62: {  	[tilespmem:s22], [sflag:$0x2] =	stream.indirect.gather [spmem:s3], $0x40, s31, s20, $0xb8;
	[tilespmem:$0x1F000] =	vst v63  }
0x63: {  	_ =	swait.ge [sflag:s23], $0x2000  }
0x64: {  	[sflag:s23] =	ssyncset.done $0x0  }
.Ltmp1:
0x65: {  	s31 =	sadd.s32 $0x5000, s0;
	[sflag:s23] =	ssyncadd.s32 $0xFFFFE000;
	(pc) =	sbr.rel @p0 .LBB2_4-.Ltmp1, $4  }
0x66: {  	[spmem:s2] =	stream.indirect.scatter.add.f32 [tilespmem:s21], [sflag:$0x3], $0x40, s31, s20, $0xb8;
	[tilespmem:$0x1F000] =	vst v63  }
0x67: {  	_ =	swait.ge [sflag:s24], $0x2000  }
0x68: {  	[sflag:s24] =	ssyncset.done $0x0  }
0x69: {  	s31 =	sadd.s32 $0x5080, s0;
	[sflag:s24] =	ssyncadd.s32 $0xFFFFE000  }
0x6a: {  	[spmem:s2] =	stream.indirect.scatter.add.f32 [tilespmem:s22], [sflag:$0x4], $0x40, s31, s20, $0xb8;
	[tilespmem:$0x1F000] =	vst v63  }
0x6b: {  	_ =	swait.ge [sflag:s26], $0x2000  }
0x6c: {  	[sflag:s26] =	ssyncset.done $0x0  }
0x6d: {  	[sflag:s26] =	ssyncadd.s32 $0xFFFFE000  }
0x6e: {  	_ =	swait.ge [sflag:s28], $0x2000  }
0x6f: {  	s29 =	sadd.s32 $0x1, s29;
	[sflag:s28] =	ssyncset.done $0x0  }
0x70: {  	p0 =	sne.s32 s29, s14;
	[sflag:s28] =	ssyncadd.s32 $0xFFFFE000  }
.Ltmp2:
0x71: {  	s0 =	sshrl.u32 s5, $0x3;
	[bflag:$0x0] =	sbarrier.arrive $0xFFFF;
	(pc) =	sbr.rel @p0 .LBB2_1-.Ltmp2, $4  }
0x72: {  	[hbm:s13], [sflag:s17] =	dma.local [spmem:s0], $0x1400  }
0x73: {  	_ =	swait.ge [sflag:s16], $0x1400  }
0x74: {  	[sflag:s16] =	ssyncset.done $0x0  }
0x75: {  	[sflag:s16] =	ssyncadd.s32 $0xFFFFEC00  }
0x76: {  	_ =	sfence.sel $0x180000  }
0x77: {  	[bflag:$0x0] =	sbarrier.arrive $0xFFFF  }
0x78: {  	_ =	strace $0x9000004A  }
0x79: {  	[bflag:$0x2] =	sbarrier.arrive $0xFFFF  }
0x7a: {  	p0 =	sne.s32 s1, $0x0;
	s0 =	rddreg [dreg:$0x3]  }
0x7b: {  	s0 =	sadd.s32 @!p0 $0x100000, s0  }
0x7c: {  	[sflag:s0] =	ssyncadd.tile.s32 @!p0 $0x1;
	_ =	shalt  }
.Lfunc_end2:
_tile_overlayer_lowered:
.L_overlay_start_2:
0x7d: {  	(tag) =	ssettag $0x2  }
0x7e: {  	s0 =	rddreg [dreg:$0x0];
	s2 =	stileid.u32  }
0x7f: {  	s1 =	rddreg [dreg:$0x1];
	p0 =	sne.s32 s2, $0x0  }
0x80: {  	s3 =	rddreg [dreg:$0x2];
	[bflag:$0x3] =	sbarrier.arrive $0xFFFF;
	s2 =	simm.s32 @!p0 $0x1C05  }
0x81: {  	[timem:s3], [sflag:s2] =	dma.local @!p0 [hbm:s0], s1  }
0x82: {  	s0 =	simm.s32 @!p0 $0x5  }
0x83: {  	_ =	swait.ge @!p0 [sflag:s0], s1  }
0x84: {  	s1 =	ssub.s32 @!p0 $0x0, s1;
	[sflag:s0] =	ssyncset.done @!p0 $0x0  }
0x85: {  	[sflag:s0] =	ssyncadd.s32 @!p0 s1  }
0x86: {  	[bflag:$0x3] =	sbarrier.arrive $0xFFFF  }
0x87: {  	_ =	shalt  }

// kernel: kernel.14.cloned.1.call-start
scs
__scs_entry_jumppad:
0x0: {  	(pc) =	sbr.rel $0x88, $3  }
0x1: {  	(tag) =	ssettag $0x0;
	lr =	simm.s32 $0x1  }
0x2: {  	[smem:$0x3F99] =	sst lr;
	_ =	strace $0xD0000000  }
0x3: {  	_ = 	snop  }
0x4: {  	_ = 	snop  }
0x5: {  	_ = 	snop  }
0x6: {  	_ = 	snop  }
0x7: {  	_ = 	snop  }
__scs_overlays_trampoline_lowered:
0x8: {  	[smem:$0x3FA8] =	sst s0  }
0x9: {  	[smem:$0x3FA9] =	sst s1  }
0xa: {  	[smem:$0x3FAA] =	sst s2  }
0xb: {  	[smem:$0x3FAB] =	sst s3  }
0xc: {  	[smem:$0x3FAC] =	sst s4  }
0xd: {  	[smem:$0x3FAD] =	sst s5  }
0xe: {  	[smem:$0x3FAE] =	sst s6  }
0xf: {  	[smem:$0x3FAF] =	sst s7  }
0x10: {  	[smem:$0x3FB0] =	sst s8  }
0x11: {  	[smem:$0x3FB1] =	sst s9;
	s0 =	simm.s32 @!p0 $0x0  }
0x12: {  	s1 =	sld [smem:$0x3F97];
	s0 =	simm.s32 @p0 $0x1  }
0x13: {  	[smem:$0x3FB2] =	sst s0;
	s0 =	simm.s32 @!p1 $0x0  }
0x14: {  	s2 =	sld [smem:$0x3F96];
	s0 =	simm.s32 @p1 $0x1  }
0x15: {  	[smem:$0x3FB3] =	sst s0;
	s0 =	simm.s32 @!p2 $0x0  }
0x16: {  	s3 =	sld [smem:$0x3FDB];
	s0 =	simm.s32 @p2 $0x1  }
0x17: {  	s4 =	simm.s32 $0x1BF5;
	[smem:$0x3FB5] =	sst s0  }
0x18: {  	s0 =	sld [smem:$0x3F98];
	_ =	swait.ge [sflag:s4], $0x0  }
0x19: {  	s7 =	sld [smem:$0x3F99]  }
0x1a: {  	s8 =	sadd.s32 $0xFFFFE003, lr  }
0x1b: {  	s9 =	sadd.s32 $0xFFFFFEF7, lr;
	s5 =	simm.s32 $0xFFFFFFFF;
	p2 =	slt.u32 s8, $0xFFFFF086  }
0x1c: {  	p1 =	slt.u32 s9, $0xF7A;
	s5 =	simm.s32 @!p2 $0x0  }
0x1d: {  	s5 =	simm.s32 @p1 $0x1;
	p0 =	seq.s32 s7, s2  }
0x1e: {  	s7 =	smul.u32 @!p0 $0xF7A, s2;
	p2 =	seq.s32 @!p0 s5, $0x0  }
0x1f: {  	s9 =	smul.u32 $0xF7A, s1;
	s8 =	simm.s32 @!p0 $0x1BF5;
	p2 =	por !p2, p0  }
0x20: {  	[sflag:s8] =	ssyncset.s32 @!p0 $0xFFFFF086;
	s6 =	sadd.s32 @!p0 s3, s7;
	s7 =	simm.s32 @!p0 $0x108  }
0x21: {  	s3 =	sadd.s32 s3, s9;
	s6 =	sadd.s32 @!p0 $0x88, s6;
	s7 =	simm.s32 @p2 $0x1082  }
0x22: {  	[simem:s7], [sflag:s8] =	dma.local @!p0 [hbm:s6], $0xF7A  }
0x23: {  	s9 =	sor.u32 $0xD0000000, s2;
	s6 =	simm.s32 $0x108;
	_ =	swait.ge @!p0 [sflag:s8], $0x0  }
0x24: {  	s3 =	sadd.s32 $0x88, s3;
	s6 =	simm.s32 @!p1 $0x1082;
	[sflag:s4] =	ssyncset.s32 $0xFFFFF086  }
0x25: {  	[simem:s6], [sflag:s4] =	dma.local [hbm:s3], $0xF7A  }
0x26: {  	[smem:$0x3F99] =	sst s1;
	(tag) =	ssettag s2;
	_ =	strace s9  }
0x27: {  	s1 =	sld [smem:$0x3FA9]  }
0x28: {  	s2 =	sld [smem:$0x3FAA]  }
0x29: {  	s4 =	sld [smem:$0x3FAC]  }
0x2a: {  	p0 =	seq.s32 s5, $0x0;
	s5 =	sld [smem:$0x3FAD]  }
0x2b: {  	s6 =	sld [smem:$0x3FAE]  }
0x2c: {  	s7 =	sld [smem:$0x3FAF]  }
0x2d: {  	s3 =	simm.s32 $0x108;
	s8 =	sld [smem:$0x3FB0]  }
0x2e: {  	s3 =	simm.s32 @!p0 $0x1082;
	s9 =	sld [smem:$0x3FB1]  }
0x2f: {  	lr =	sadd.s32 s0, s3;
	s0 =	sld [smem:$0x3FA8]  }
0x30: {  	s3 =	sld [smem:$0x3FAB]  }
0x31: {  	[smem:$0x3FB4] =	sst s10  }
0x32: {  	s10 =	sld [smem:$0x3FB2];
	_ =	sdelay $0x3  }
0x33: {  	p0 =	seq.s32 s10, $0x1;
	s10 =	sld [smem:$0x3FB4];
	_ =	sdelay $0x3  }
0x34: {  	[smem:$0x3FB4] =	sst s10  }
0x35: {  	s10 =	sld [smem:$0x3FB3];
	_ =	sdelay $0x3  }
0x36: {  	p1 =	seq.s32 s10, $0x1;
	s10 =	sld [smem:$0x3FB4];
	_ =	sdelay $0x3  }
0x37: {  	[smem:$0x3FB4] =	sst s10  }
0x38: {  	s10 =	sld [smem:$0x3FB5]  }
0x39: {  	_ = 	snop;
	(pc) =	sbr.ind lr, $3  }
0x3a: {  	_ = 	snop  }
0x3b: {  	_ = 	snop  }
0x3c: {  	p2 =	seq.s32 s10, $0x1;
	s10 =	sld [smem:$0x3FB4]  }
0x3d: {  	_ =	shalt  }
0x3e: {  	_ =	shalt  }
0x3f: {  	_ =	shalt  }
0x40: {  	_ =	shalt  }
0x41: {  	_ =	shalt  }
0x42: {  	_ =	shalt  }
0x43: {  	_ =	shalt  }
0x44: {  	_ =	shalt  }
0x45: {  	_ =	shalt  }
0x46: {  	_ =	shalt  }
0x47: {  	_ =	shalt  }
0x48: {  	_ =	shalt  }
0x49: {  	_ =	shalt  }
0x4a: {  	_ =	shalt  }
0x4b: {  	_ =	shalt  }
0x4c: {  	_ =	shalt  }
0x4d: {  	_ =	shalt  }
0x4e: {  	_ =	shalt  }
0x4f: {  	_ =	shalt  }
0x50: {  	_ =	shalt  }
0x51: {  	_ =	shalt  }
0x52: {  	_ =	shalt  }
0x53: {  	_ =	shalt  }
0x54: {  	_ =	shalt  }
0x55: {  	_ =	shalt  }
0x56: {  	_ =	shalt  }
0x57: {  	_ =	shalt  }
0x58: {  	_ =	shalt  }
0x59: {  	_ =	shalt  }
0x5a: {  	_ =	shalt  }
0x5b: {  	_ =	shalt  }
0x5c: {  	_ =	shalt  }
0x5d: {  	_ =	shalt  }
0x5e: {  	_ =	shalt  }
0x5f: {  	_ =	shalt  }
0x60: {  	_ =	shalt  }
0x61: {  	_ =	shalt  }
0x62: {  	_ =	shalt  }
0x63: {  	_ =	shalt  }
0x64: {  	_ =	shalt  }
0x65: {  	_ =	shalt  }
0x66: {  	_ =	shalt  }
0x67: {  	_ =	shalt  }
0x68: {  	_ =	shalt  }
0x69: {  	_ =	shalt  }
0x6a: {  	_ =	shalt  }
0x6b: {  	_ =	shalt  }
0x6c: {  	_ =	shalt  }
0x6d: {  	_ =	shalt  }
0x6e: {  	_ =	shalt  }
0x6f: {  	_ =	shalt  }
0x70: {  	_ =	shalt  }
0x71: {  	_ =	shalt  }
0x72: {  	_ =	shalt  }
0x73: {  	_ =	shalt  }
0x74: {  	_ =	shalt  }
0x75: {  	_ =	shalt  }
0x76: {  	_ =	shalt  }
0x77: {  	_ =	shalt  }
0x78: {  	_ =	shalt  }
0x79: {  	_ =	shalt  }
0x7a: {  	_ =	shalt  }
0x7b: {  	_ =	shalt  }
0x7c: {  	_ =	shalt  }
0x7d: {  	_ =	shalt  }
0x7e: {  	_ =	shalt  }
0x7f: {  	_ =	shalt  }
0x80: {  	_ =	shalt  }
0x81: {  	_ =	shalt  }
0x82: {  	_ =	shalt  }
0x83: {  	_ =	shalt  }
0x84: {  	_ =	shalt  }
0x85: {  	_ =	shalt  }
0x86: {  	_ =	shalt  }
0x87: {  	_ =	shalt  }
.Lfunc_end0:
.L_simem_size_0:
called_computation.2_lowered:
.L_overlay_start_0:
0x88: {  	s2 =	sld [smem:$0x3FD9]  }
0x89: {  	s3 =	sld [smem:$0x3FFE];
	_ =	sdelay $0x1  }
0x8a: {  	s1 =	srdreg.scid  }
0x8b: {  	s0 =	sand.u32 $0x1, s1  }
0x8c: {  	s16 =	sshll.u32 s0, $0xA;
	s2 =	sadd.s32 s3, s2  }
0x8d: {  	s2 =	sadd.s32 s2, s16  }
0x8e: {  	[smem:$0x3FC0] =	sst s2  }
0x8f: {  	_ = 	snop  }
0x90: {  	(tm) =	ssettm $0x1  }
0x91: {  	s17 =	sld [smem:$0x3FFB];
	_ =	sdelay $0x3  }
0x92: {  	_ =	strace s17  }
0x93: {  	s2 =	sld [smem:$0x3FFC];
	_ =	sdelay $0x3  }
0x94: {  	_ =	strace s2  }
0x95: {  	s2 =	sld [smem:$0x3FFD];
	_ =	sdelay $0x3  }
0x96: {  	_ =	strace s2  }
0x97: {  	_ =	strace $0x8FFFFFFF  }
0x98: {  	s18 =	sld [smem:$0x3FDB];
	_ =	sdelay $0x1  }
0x99: {  	s19 =	simm.s32 $_scs_section_size  }
0x9a: {  	s4 =	simm.s32 $_size__tile_overlayer_lowered;
	s5 =	simm.s32 $_tile_overlayer_lowered  }
0x9b: {  	s22 =	simm.s32 $0x1BFF;
	s21 =	sshll.u32 s5, $0x1;
	s2 =	sadd.s32 s19, s18  }
0x9c: {  	s6 =	simm.s32 $0x0;
	s20 =	sshll.u32 s4, $0x1;
	s4 =	sadd.s32 s21, s2  }
0x9d: {  	[timem:s6], [sflag:s22] =	dma.local [hbm:s4], s20  }
0x9e: {  	_ =	swait.ge [sflag:s22], s20  }
0x9f: {  	s3 =	ssub.s32 $0x0, s20;
	[sflag:s22] =	ssyncset.done $0x0  }
0xa0: {  	[sflag:s22] =	ssyncadd.s32 s3;
	_ =	sdelay $0x1  }
0xa1: {  	s23 =	simm.s32 $0x1B8B  }
0xa2: {  	_ =	swait.ge [sflag:s23], $0x1  }
0xa3: {  	[sflag:s23] =	ssyncset.done $0x0  }
0xa4: {  	s25 =	simm.s32 $0x1B8E;
	s24 =	sld [smem:$0x3FFE];
	[sflag:s23] =	ssyncadd.s32 $0xFFFFFFFF  }
0xa5: {  	s26 =	simm.s32 $execute0_lowered;
	[smem:$0x3FD2] =	sst s25  }
0xa6: {  	s4 =	sshll.u32 s26, $0x1;
	_ =	strace $0x8000004C;
	[dreg:$0x1] =	wrdreg $0xFFFFFFFF  }
0xa7: {  	s28 =	simm.s32 $_size_execute0_lowered;
	s2 =	sadd.s32 s2, s4;
	[dreg:$0x0] =	wrdreg $0x0  }
0xa8: {  	s4 =	sshll.u32 s28, $0x1;
	[dreg:$0x2] =	wrdreg s2  }
0xa9: {  	[dreg:$0x3] =	wrdreg s4  }
0xaa: {  	[dreg:$0x4] =	wrdreg $0xC0  }
0xab: {  	_ =	task [dreg:s6], $0x5FFFF  }
0xac: {  	[dreg:$0x1] =	wrdreg $0xFFFFFFFF  }
0xad: {  	[dreg:$0x0] =	wrdreg $0x60  }
0xae: {  	[dreg:$0x2] =	wrdreg s24  }
0xaf: {  	[dreg:$0x3] =	wrdreg $0xB0000  }
0xb0: {  	[dreg:$0x4] =	wrdreg $0x150000  }
0xb1: {  	[dreg:$0x5] =	wrdreg $0x9  }
0xb2: {  	_ =	task.clear_ibuf [dreg:s6], $0x6FFFF;
	_ =	strace $0x9000004C  }
0xb3: {  	s29 =	simm.s32 $0x9;
	_ =	strace $0x8000004E  }
0xb4: {  	_ =	swait.ge [sflag:s29], $0x1  }
0xb5: {  	[sflag:s29] =	ssyncadd.s32 $0xFFFFFFFF  }
0xb6: {  	_ =	strace $0x9000004E  }
0xb7: {  	_ =	sfence  }
0xb8: {  	s30 =	sld [smem:$0x0];
	_ =	sdelay $0x2  }
0xb9: {  	s31 =	sshll.u32 s1, $0xD;
	s1 =	sshrl.u32 s1, $0x2  }
0xba: {  	s3 =	sand.u32 $0x4000, s31;
	s1 =	sadd.s32 s1, s30  }
0xbb: {  	s0 =	sor.u32 s3, s0;
	s1 =	sshll.u32 s1, $0x11  }
0xbc: {  	s0 =	sor.u32 s1, s0  }
0xbd: {  	s0 =	sadd.s32 $0x8F2B, s0  }
0xbe: {  	[sflag:s0] =	ssyncadd.remote.s32 $0x1  }
0xbf: {  	_ =	sfence.sel $0xFFFF  }
0xc0: {  	[dreg:$0x0] =	wrdreg $0xFFFFFFFF;
	(pc) =	sbr.abs _section_cstart, $3  }
0xc1: {  	[dreg:$0x1] =	wrdreg $0xFFFFFFFF  }
0xc2: {  	_ =	task.clear_ibuf [dreg:s6], $0x2FFFF;
	_ =	strace $0x9FFFFFFF  }
0xc3: {  	(tm) =	ssettm $0x7FFFFFFF  }
tec
execute0_lowered:
.L_overlay_start_1:
0x0: {  	(tag) =	ssettag $0x1  }
0x1: {  	s5 =	rddreg [dreg:$0x0]  }
0x2: {  	s2 =	rddreg [dreg:$0x1];
	s0 =	srdreg.scid  }
0x3: {  	s3 =	rddreg [dreg:$0x2];
	s1 =	stileid.u32  }
0x4: {  	s4 =	simm.s32 $0x0;
	s16 =	simm.s32 $0x5;
	s19 =	simm.s32 $0x2800  }
0x5: {  	s20 =	simm.s32 $0x80;
	s21 =	simm.s32 $0x5000;
	s8 =	smul.u32 $0x2800, s1  }
0x6: {  	s22 =	simm.s32 $0x7000;
	s23 =	simm.s32 $0x1;
	s10 =	smul.u32 $0xA000, s1  }
0x7: {  	s28 =	simm.s32 $0x4;
	s6 =	sand.u32 $0x1, s0;
	s11 =	smul.u32 $0x28000, s1  }
0x8: {  	s29 =	simm.s32 $0x0;
	[smem:$0x7FF] =	sst s4;
	s7 =	smul.u32 $0x28000, s6  }
0x9: {  	s17 =	sshll.u32 s1, $0x6;
	_ =	strace $0x8000004D;
	s24 =	smul.u32 $0xA0000, s6  }
0xa: {  	s6 =	ssub.s32 $0x2, s6;
	s17 =	sor.u32 $0x1C05, s17;
	s9 =	sshrl.u32 s10, $0x3  }
0xb: {  	s26 =	sshrl.u32 s11, $0x2;
	s30 =	sshrl.u32 s6, $0x1;
	s18 =	sadd.s32 s10, s3  }
0xc: {  	s7 =	sadd.s32 s8, s7;
	s12 =	sadd.s32 s9, s5;
	s25 =	sadd.s32 s10, s24  }
0xd: {  	s31 =	sadd.s32 s26, s2;
	s15 =	ssub.s32 s6, s30;
	s18 =	sshrl.u32 s18, $0x3  }
0xe: {  	s24 =	simm.s32 $0x2;
	s26 =	simm.s32 $0x3;
	s7 =	sshrl.u32 s7, $0x3  }
0xf: {  	s6 =	sadd.s32 $0x2000, s31;
	s8 =	sadd.s32 $0x6000, s31;
	s9 =	sadd.s32 $0x8000, s31  }
0x10: {  	s13 =	sadd.s32 s7, s5;
	s7 =	sshrl.u32 s25, $0x3;
	s25 =	simm.s32 $0x2880  }
0x11: {  	s14 =	sadd.s32 s7, s5;
	s5 =	sadd.s32 s10, s2;
	s7 =	sadd.s32 $0x4000, s31  }
0x12: {  	s10 =	sadd.s32 $0x16A00, s12;
	s11 =	sadd.s32 $0x2A00, s13;
	s12 =	sadd.s32 $0xCA00, s13  }
0x13: {  	v0 =	vimm.f32 $0.0e+00;
	s13 =	sadd.s32 $0x2AA00, s14;
	s14 =	smax.u32 s15, $0x1;
	s15 =	simm.s32 $0x9000  }
.LBB2_1:
0x14: {  	s31 =	simm.s32 $0x100;
	s30 =	simm.s32 $0x0  }
.LBB2_2:
0x15: {  	p0 =	sne.s32 s31, $0x7F00;
	[tilespmem:s30+$0x9030] =	vst v0;
	s0 =	smov.u32 s31;
	s31 =	sadd.s32 $0x100, s31  }
.Ltmp0:
0x16: {  	[tilespmem:s30+$0x9020] =	vst v0;
	(pc) =	sbr.rel @p0 .LBB2_2-.Ltmp0, $3  }
0x17: {  	[tilespmem:s30+$0x9000] =	vst v0  }
0x18: {  	[tilespmem:s30+$0x9010] =	vst v0;
	_ =	sdelay $0x1  }
0x19: {  	s30 =	sshra.s32 s0, $0x2  }
0x1a: {  	[tilespmem:s30+$0x9030] =	vst v0  }
0x1b: {  	[tilespmem:s30+$0x9020] =	vst v0  }
0x1c: {  	[tilespmem:s30+$0x9000] =	vst v0  }
0x1d: {  	[tilespmem:s30+$0x9010] =	vst v0  }
0x1e: {  	[spmem:s5] =	stream.linear.scatter [tilespmem:s15], [sflag:$0x5], $0x2000, $0x38;
	[tilespmem:$0x1F000] =	vst v63  }
0x1f: {  	_ =	swait.ge [sflag:s16], $0x2000  }
0x20: {  	[sflag:s16] =	ssyncset.done $0x0  }
0x21: {  	[sflag:s16] =	ssyncadd.s32 $0xFFFFE000  }
0x22: {  	[spmem:s6] =	stream.linear.scatter [tilespmem:s15], [sflag:$0x5], $0x2000, $0x38;
	[tilespmem:$0x1F000] =	vst v63  }
0x23: {  	_ =	swait.ge [sflag:s16], $0x2000  }
0x24: {  	[sflag:s16] =	ssyncset.done $0x0  }
0x25: {  	[sflag:s16] =	ssyncadd.s32 $0xFFFFE000  }
0x26: {  	[spmem:s7] =	stream.linear.scatter [tilespmem:s15], [sflag:$0x5], $0x2000, $0x38;
	[tilespmem:$0x1F000] =	vst v63  }
0x27: {  	_ =	swait.ge [sflag:s16], $0x2000  }
0x28: {  	[sflag:s16] =	ssyncset.done $0x0  }
0x29: {  	[sflag:s16] =	ssyncadd.s32 $0xFFFFE000  }
0x2a: {  	[spmem:s8] =	stream.linear.scatter [tilespmem:s15], [sflag:$0x5], $0x2000, $0x38;
	[tilespmem:$0x1F000] =	vst v63  }
0x2b: {  	_ =	swait.ge [sflag:s16], $0x2000  }
0x2c: {  	[sflag:s16] =	ssyncset.done $0x0  }
0x2d: {  	[sflag:s16] =	ssyncadd.s32 $0xFFFFE000  }
0x2e: {  	[spmem:s9] =	stream.linear.scatter [tilespmem:s15], [sflag:$0x5], $0x2000, $0x38;
	[tilespmem:$0x1F000] =	vst v63  }
0x2f: {  	_ =	swait.ge [sflag:s16], $0x2000  }
0x30: {  	[sflag:s16] =	ssyncset.done $0x0  }
0x31: {  	[sflag:s16] =	ssyncadd.s32 $0xFFFFE000  }
0x32: {  	[spmem:s18], [sflag:s17] =	dma.local [hbm:s10], $0x1400  }
0x33: {  	_ =	swait.ge [sflag:s16], $0x1400  }
0x34: {  	[sflag:s16] =	ssyncset.done $0x0  }
0x35: {  	[sflag:s16] =	ssyncadd.s32 $0xFFFFEC00  }
0x36: {  	[bflag:$0x0] =	sbarrier.arrive $0xFFFF  }
0x37: {  	[tilespmem:s4], [sflag:$0x5] =	stream.linear.gather [hbm4b:s11+s4], $0x2800, $0x38;
	[tilespmem:$0x1F000] =	vst v63  }
0x38: {  	_ =	swait.ge [sflag:s16], $0x2800  }
0x39: {  	[sflag:s16] =	ssyncset.done $0x0  }
0x3a: {  	[sflag:s16] =	ssyncadd.s32 $0xFFFFD800  }
0x3b: {  	[tilespmem:s19], [sflag:$0x5] =	stream.linear.gather [hbm4b:s12+s4], $0x2800, $0x38;
	[tilespmem:$0x1F000] =	vst v63  }
0x3c: {  	_ =	swait.ge [sflag:s16], $0x2800  }
0x3d: {  	[sflag:s16] =	ssyncset.done $0x0  }
0x3e: {  	[sflag:s16] =	ssyncadd.s32 $0xFFFFD800  }
0x3f: {  	[tilespmem:s21], [sflag:$0x1] =	stream.indirect.gather [spmem:s3], $0x40, s4, s20, $0xb8;
	[tilespmem:$0x1F000] =	vst v63  }
0x40: {  	_ = 	snop  }
0x41: {  	[tilespmem:s22], [sflag:$0x2] =	stream.indirect.gather [spmem:s3], $0x40, s20, s20, $0xb8;
	[tilespmem:$0x1F000] =	vst v63  }
0x42: {  	_ =	swait.ge [sflag:s23], $0x2000  }
0x43: {  	[sflag:s23] =	ssyncset.done $0x0  }
0x44: {  	[sflag:s23] =	ssyncadd.s32 $0xFFFFE000  }
0x45: {  	[spmem:s2] =	stream.indirect.scatter.add.f32 [tilespmem:s21], [sflag:$0x3], $0x40, s19, s20, $0xb8;
	[tilespmem:$0x1F000] =	vst v63  }
0x46: {  	_ =	swait.ge [sflag:s24], $0x2000  }
0x47: {  	[sflag:s24] =	ssyncset.done $0x0  }
0x48: {  	[sflag:s24] =	ssyncadd.s32 $0xFFFFE000  }
0x49: {  	[spmem:s2] =	stream.indirect.scatter.add.f32 [tilespmem:s22], [sflag:$0x4], $0x40, s25, s20, $0xb8;
	[tilespmem:$0x1F000] =	vst v63  }
0x4a: {  	_ =	swait.ge [sflag:s26], $0x2000  }
0x4b: {  	[sflag:s26] =	ssyncset.done $0x0  }
0x4c: {  	s0 =	simm.s32 $0x100;
	[sflag:s26] =	ssyncadd.s32 $0xFFFFE000  }
0x4d: {  	[tilespmem:s21], [sflag:$0x1] =	stream.indirect.gather [spmem:s3], $0x40, s0, s20, $0xb8;
	[tilespmem:$0x1F000] =	vst v63  }
0x4e: {  	_ =	swait.ge [sflag:s28], $0x2000  }
0x4f: {  	[sflag:s28] =	ssyncset.done $0x0  }
0x50: {  	s0 =	simm.s32 $0x180;
	[sflag:s28] =	ssyncadd.s32 $0xFFFFE000  }
0x51: {  	[tilespmem:s22], [sflag:$0x2] =	stream.indirect.gather [spmem:s3], $0x40, s0, s20, $0xb8;
	[tilespmem:$0x1F000] =	vst v63  }
0x52: {  	_ =	swait.ge [sflag:s23], $0x2000  }
0x53: {  	[sflag:s23] =	ssyncset.done $0x0  }
0x54: {  	s0 =	simm.s32 $0x2900;
	[sflag:s23] =	ssyncadd.s32 $0xFFFFE000  }
0x55: {  	[spmem:s2] =	stream.indirect.scatter.add.f32 [tilespmem:s21], [sflag:$0x3], $0x40, s0, s20, $0xb8;
	[tilespmem:$0x1F000] =	vst v63  }
0x56: {  	_ =	swait.ge [sflag:s24], $0x2000  }
0x57: {  	[sflag:s24] =	ssyncset.done $0x0  }
0x58: {  	s30 =	simm.s32 $0xFFFF6800;
	s31 =	simm.s32 $0x2980;
	[sflag:s24] =	ssyncadd.s32 $0xFFFFE000  }
.LBB2_4:
0x59: {  	[spmem:s2] =	stream.indirect.scatter.add.f32 [tilespmem:s22], [sflag:$0x4], $0x40, s31, s20, $0xb8;
	[tilespmem:$0x1F000] =	vst v63  }
0x5a: {  	s0 =	smov.u32 s30  }
0x5b: {  	p0 =	sne.s32 s30, $0xFFFFFC00;
	s30 =	sadd.s32 $0x400, s30;
	_ =	swait.ge [sflag:s26], $0x2000  }
0x5c: {  	s0 =	sshra.s32 s0, $0x2;
	[sflag:s26] =	ssyncset.done $0x0  }
0x5d: {  	s31 =	sadd.s32 $0x2800, s0;
	[sflag:s26] =	ssyncadd.s32 $0xFFFFE000  }
0x5e: {  	[tilespmem:s21], [sflag:$0x1] =	stream.indirect.gather [spmem:s3], $0x40, s31, s20, $0xb8;
	[tilespmem:$0x1F000] =	vst v63  }
0x5f: {  	_ =	swait.ge [sflag:s28], $0x2000  }
0x60: {  	[sflag:s28] =	ssyncset.done $0x0  }
0x61: {  	s31 =	sadd.s32 $0x2880, s0;
	[sflag:s28] =	ssyncadd.s32 $0xFFFFE000  }
0x62: {  	[tilespmem:s22], [sflag:$0x2] =	stream.indirect.gather [spmem:s3], $0x40, s31, s20, $0xb8;
	[tilespmem:$0x1F000] =	vst v63  }
0x63: {  	_ =	swait.ge [sflag:s23], $0x2000  }
0x64: {  	[sflag:s23] =	ssyncset.done $0x0  }
.Ltmp1:
0x65: {  	s31 =	sadd.s32 $0x5000, s0;
	[sflag:s23] =	ssyncadd.s32 $0xFFFFE000;
	(pc) =	sbr.rel @p0 .LBB2_4-.Ltmp1, $4  }
0x66: {  	[spmem:s2] =	stream.indirect.scatter.add.f32 [tilespmem:s21], [sflag:$0x3], $0x40, s31, s20, $0xb8;
	[tilespmem:$0x1F000] =	vst v63  }
0x67: {  	_ =	swait.ge [sflag:s24], $0x2000  }
0x68: {  	[sflag:s24] =	ssyncset.done $0x0  }
0x69: {  	s31 =	sadd.s32 $0x5080, s0;
	[sflag:s24] =	ssyncadd.s32 $0xFFFFE000  }
0x6a: {  	[spmem:s2] =	stream.indirect.scatter.add.f32 [tilespmem:s22], [sflag:$0x4], $0x40, s31, s20, $0xb8;
	[tilespmem:$0x1F000] =	vst v63  }
0x6b: {  	_ =	swait.ge [sflag:s26], $0x2000  }
0x6c: {  	[sflag:s26] =	ssyncset.done $0x0  }
0x6d: {  	[sflag:s26] =	ssyncadd.s32 $0xFFFFE000  }
0x6e: {  	_ =	swait.ge [sflag:s28], $0x2000  }
0x6f: {  	s29 =	sadd.s32 $0x1, s29;
	[sflag:s28] =	ssyncset.done $0x0  }
0x70: {  	p0 =	sne.s32 s29, s14;
	[sflag:s28] =	ssyncadd.s32 $0xFFFFE000  }
.Ltmp2:
0x71: {  	s0 =	sshrl.u32 s5, $0x3;
	[bflag:$0x0] =	sbarrier.arrive $0xFFFF;
	(pc) =	sbr.rel @p0 .LBB2_1-.Ltmp2, $4  }
0x72: {  	[hbm:s13], [sflag:s17] =	dma.local [spmem:s0], $0x1400  }
0x73: {  	_ =	swait.ge [sflag:s16], $0x1400  }
0x74: {  	[sflag:s16] =	ssyncset.done $0x0  }
0x75: {  	[sflag:s16] =	ssyncadd.s32 $0xFFFFEC00  }
0x76: {  	_ =	sfence.sel $0x180000  }
0x77: {  	[bflag:$0x0] =	sbarrier.arrive $0xFFFF  }
0x78: {  	_ =	strace $0x9000004D  }
0x79: {  	[bflag:$0x2] =	sbarrier.arrive $0xFFFF  }
0x7a: {  	p0 =	sne.s32 s1, $0x0;
	s0 =	rddreg [dreg:$0x3]  }
0x7b: {  	s0 =	sadd.s32 @!p0 $0x100000, s0  }
0x7c: {  	[sflag:s0] =	ssyncadd.tile.s32 @!p0 $0x1;
	_ =	shalt  }
.Lfunc_end2:
_tile_overlayer_lowered:
.L_overlay_start_2:
0x7d: {  	(tag) =	ssettag $0x2  }
0x7e: {  	s0 =	rddreg [dreg:$0x0];
	s2 =	stileid.u32  }
0x7f: {  	s1 =	rddreg [dreg:$0x1];
	p0 =	sne.s32 s2, $0x0  }
0x80: {  	s3 =	rddreg [dreg:$0x2];
	[bflag:$0x3] =	sbarrier.arrive $0xFFFF;
	s2 =	simm.s32 @!p0 $0x1C05  }
0x81: {  	[timem:s3], [sflag:s2] =	dma.local @!p0 [hbm:s0], s1  }
0x82: {  	s0 =	simm.s32 @!p0 $0x5  }
0x83: {  	_ =	swait.ge @!p0 [sflag:s0], s1  }
0x84: {  	s1 =	ssub.s32 @!p0 $0x0, s1;
	[sflag:s0] =	ssyncset.done @!p0 $0x0  }
0x85: {  	[sflag:s0] =	ssyncadd.s32 @!p0 s1  }
0x86: {  	[bflag:$0x3] =	sbarrier.arrive $0xFFFF  }
0x87: {  	_ =	shalt  }

// kernel: kernel.8.cloned.1.call-start
scs
__scs_entry_jumppad:
0x0: {  	(pc) =	sbr.rel $0x88, $3  }
0x1: {  	(tag) =	ssettag $0x0;
	lr =	simm.s32 $0x1  }
0x2: {  	[smem:$0x3F99] =	sst lr;
	_ =	strace $0xD0000000  }
0x3: {  	_ = 	snop  }
0x4: {  	_ = 	snop  }
0x5: {  	_ = 	snop  }
0x6: {  	_ = 	snop  }
0x7: {  	_ = 	snop  }
__scs_overlays_trampoline_lowered:
0x8: {  	[smem:$0x3FA8] =	sst s0  }
0x9: {  	[smem:$0x3FA9] =	sst s1  }
0xa: {  	[smem:$0x3FAA] =	sst s2  }
0xb: {  	[smem:$0x3FAB] =	sst s3  }
0xc: {  	[smem:$0x3FAC] =	sst s4  }
0xd: {  	[smem:$0x3FAD] =	sst s5  }
0xe: {  	[smem:$0x3FAE] =	sst s6  }
0xf: {  	[smem:$0x3FAF] =	sst s7  }
0x10: {  	[smem:$0x3FB0] =	sst s8  }
0x11: {  	[smem:$0x3FB1] =	sst s9;
	s0 =	simm.s32 @!p0 $0x0  }
0x12: {  	s1 =	sld [smem:$0x3F97];
	s0 =	simm.s32 @p0 $0x1  }
0x13: {  	[smem:$0x3FB2] =	sst s0;
	s0 =	simm.s32 @!p1 $0x0  }
0x14: {  	s2 =	sld [smem:$0x3F96];
	s0 =	simm.s32 @p1 $0x1  }
0x15: {  	[smem:$0x3FB3] =	sst s0;
	s0 =	simm.s32 @!p2 $0x0  }
0x16: {  	s3 =	sld [smem:$0x3FDB];
	s0 =	simm.s32 @p2 $0x1  }
0x17: {  	s4 =	simm.s32 $0x1BF5;
	[smem:$0x3FB5] =	sst s0  }
0x18: {  	s0 =	sld [smem:$0x3F98];
	_ =	swait.ge [sflag:s4], $0x0  }
0x19: {  	s7 =	sld [smem:$0x3F99]  }
0x1a: {  	s8 =	sadd.s32 $0xFFFFE003, lr  }
0x1b: {  	s9 =	sadd.s32 $0xFFFFFEF7, lr;
	s5 =	simm.s32 $0xFFFFFFFF;
	p2 =	slt.u32 s8, $0xFFFFF086  }
0x1c: {  	p1 =	slt.u32 s9, $0xF7A;
	s5 =	simm.s32 @!p2 $0x0  }
0x1d: {  	s5 =	simm.s32 @p1 $0x1;
	p0 =	seq.s32 s7, s2  }
0x1e: {  	s7 =	smul.u32 @!p0 $0xF7A, s2;
	p2 =	seq.s32 @!p0 s5, $0x0  }
0x1f: {  	s9 =	smul.u32 $0xF7A, s1;
	s8 =	simm.s32 @!p0 $0x1BF5;
	p2 =	por !p2, p0  }
0x20: {  	[sflag:s8] =	ssyncset.s32 @!p0 $0xFFFFF086;
	s6 =	sadd.s32 @!p0 s3, s7;
	s7 =	simm.s32 @!p0 $0x108  }
0x21: {  	s3 =	sadd.s32 s3, s9;
	s6 =	sadd.s32 @!p0 $0x88, s6;
	s7 =	simm.s32 @p2 $0x1082  }
0x22: {  	[simem:s7], [sflag:s8] =	dma.local @!p0 [hbm:s6], $0xF7A  }
0x23: {  	s9 =	sor.u32 $0xD0000000, s2;
	s6 =	simm.s32 $0x108;
	_ =	swait.ge @!p0 [sflag:s8], $0x0  }
0x24: {  	s3 =	sadd.s32 $0x88, s3;
	s6 =	simm.s32 @!p1 $0x1082;
	[sflag:s4] =	ssyncset.s32 $0xFFFFF086  }
0x25: {  	[simem:s6], [sflag:s4] =	dma.local [hbm:s3], $0xF7A  }
0x26: {  	[smem:$0x3F99] =	sst s1;
	(tag) =	ssettag s2;
	_ =	strace s9  }
0x27: {  	s1 =	sld [smem:$0x3FA9]  }
0x28: {  	s2 =	sld [smem:$0x3FAA]  }
0x29: {  	s4 =	sld [smem:$0x3FAC]  }
0x2a: {  	p0 =	seq.s32 s5, $0x0;
	s5 =	sld [smem:$0x3FAD]  }
0x2b: {  	s6 =	sld [smem:$0x3FAE]  }
0x2c: {  	s7 =	sld [smem:$0x3FAF]  }
0x2d: {  	s3 =	simm.s32 $0x108;
	s8 =	sld [smem:$0x3FB0]  }
0x2e: {  	s3 =	simm.s32 @!p0 $0x1082;
	s9 =	sld [smem:$0x3FB1]  }
0x2f: {  	lr =	sadd.s32 s0, s3;
	s0 =	sld [smem:$0x3FA8]  }
0x30: {  	s3 =	sld [smem:$0x3FAB]  }
0x31: {  	[smem:$0x3FB4] =	sst s10  }
0x32: {  	s10 =	sld [smem:$0x3FB2];
	_ =	sdelay $0x3  }
0x33: {  	p0 =	seq.s32 s10, $0x1;
	s10 =	sld [smem:$0x3FB4];
	_ =	sdelay $0x3  }
0x34: {  	[smem:$0x3FB4] =	sst s10  }
0x35: {  	s10 =	sld [smem:$0x3FB3];
	_ =	sdelay $0x3  }
0x36: {  	p1 =	seq.s32 s10, $0x1;
	s10 =	sld [smem:$0x3FB4];
	_ =	sdelay $0x3  }
0x37: {  	[smem:$0x3FB4] =	sst s10  }
0x38: {  	s10 =	sld [smem:$0x3FB5]  }
0x39: {  	_ = 	snop;
	(pc) =	sbr.ind lr, $3  }
0x3a: {  	_ = 	snop  }
0x3b: {  	_ = 	snop  }
0x3c: {  	p2 =	seq.s32 s10, $0x1;
	s10 =	sld [smem:$0x3FB4]  }
0x3d: {  	_ =	shalt  }
0x3e: {  	_ =	shalt  }
0x3f: {  	_ =	shalt  }
0x40: {  	_ =	shalt  }
0x41: {  	_ =	shalt  }
0x42: {  	_ =	shalt  }
0x43: {  	_ =	shalt  }
0x44: {  	_ =	shalt  }
0x45: {  	_ =	shalt  }
0x46: {  	_ =	shalt  }
0x47: {  	_ =	shalt  }
0x48: {  	_ =	shalt  }
0x49: {  	_ =	shalt  }
0x4a: {  	_ =	shalt  }
0x4b: {  	_ =	shalt  }
0x4c: {  	_ =	shalt  }
0x4d: {  	_ =	shalt  }
0x4e: {  	_ =	shalt  }
0x4f: {  	_ =	shalt  }
0x50: {  	_ =	shalt  }
0x51: {  	_ =	shalt  }
0x52: {  	_ =	shalt  }
0x53: {  	_ =	shalt  }
0x54: {  	_ =	shalt  }
0x55: {  	_ =	shalt  }
0x56: {  	_ =	shalt  }
0x57: {  	_ =	shalt  }
0x58: {  	_ =	shalt  }
0x59: {  	_ =	shalt  }
0x5a: {  	_ =	shalt  }
0x5b: {  	_ =	shalt  }
0x5c: {  	_ =	shalt  }
0x5d: {  	_ =	shalt  }
0x5e: {  	_ =	shalt  }
0x5f: {  	_ =	shalt  }
0x60: {  	_ =	shalt  }
0x61: {  	_ =	shalt  }
0x62: {  	_ =	shalt  }
0x63: {  	_ =	shalt  }
0x64: {  	_ =	shalt  }
0x65: {  	_ =	shalt  }
0x66: {  	_ =	shalt  }
0x67: {  	_ =	shalt  }
0x68: {  	_ =	shalt  }
0x69: {  	_ =	shalt  }
0x6a: {  	_ =	shalt  }
0x6b: {  	_ =	shalt  }
0x6c: {  	_ =	shalt  }
0x6d: {  	_ =	shalt  }
0x6e: {  	_ =	shalt  }
0x6f: {  	_ =	shalt  }
0x70: {  	_ =	shalt  }
0x71: {  	_ =	shalt  }
0x72: {  	_ =	shalt  }
0x73: {  	_ =	shalt  }
0x74: {  	_ =	shalt  }
0x75: {  	_ =	shalt  }
0x76: {  	_ =	shalt  }
0x77: {  	_ =	shalt  }
0x78: {  	_ =	shalt  }
0x79: {  	_ =	shalt  }
0x7a: {  	_ =	shalt  }
0x7b: {  	_ =	shalt  }
0x7c: {  	_ =	shalt  }
0x7d: {  	_ =	shalt  }
0x7e: {  	_ =	shalt  }
0x7f: {  	_ =	shalt  }
0x80: {  	_ =	shalt  }
0x81: {  	_ =	shalt  }
0x82: {  	_ =	shalt  }
0x83: {  	_ =	shalt  }
0x84: {  	_ =	shalt  }
0x85: {  	_ =	shalt  }
0x86: {  	_ =	shalt  }
0x87: {  	_ =	shalt  }
.Lfunc_end0:
.L_simem_size_0:
called_computation_lowered:
.L_overlay_start_0:
0x88: {  	s2 =	sld [smem:$0x3FD9]  }
0x89: {  	s3 =	sld [smem:$0x3FFE];
	_ =	sdelay $0x1  }
0x8a: {  	s1 =	srdreg.scid  }
0x8b: {  	s0 =	sand.u32 $0x1, s1  }
0x8c: {  	s17 =	sshll.u32 s0, $0xA;
	s2 =	sadd.s32 s3, s2  }
0x8d: {  	s2 =	sadd.s32 s2, s17  }
0x8e: {  	[smem:$0x3FC0] =	sst s2  }
0x8f: {  	_ = 	snop  }
0x90: {  	s2 =	sld [smem:$0x3FD0];
	(tm) =	ssettm $0x1  }
0x91: {  	s18 =	sld [smem:$0x3FFB];
	_ =	sdelay $0x3  }
0x92: {  	_ =	strace s18  }
0x93: {  	s3 =	sld [smem:$0x3FFC];
	_ =	sdelay $0x3  }
0x94: {  	_ =	strace s3  }
0x95: {  	s3 =	sld [smem:$0x3FFD];
	_ =	sdelay $0x3  }
0x96: {  	_ =	strace s3  }
0x97: {  	_ =	strace $0x8FFFFFFF  }
0x98: {  	s19 =	sld [smem:$0x3FDB];
	_ =	sdelay $0x1  }
0x99: {  	s4 =	simm.s32 $_scs_section_size  }
0x9a: {  	s5 =	simm.s32 $_size__tile_overlayer_lowered;
	s6 =	simm.s32 $_tile_overlayer_lowered  }
0x9b: {  	s22 =	simm.s32 $0x1BFF;
	s21 =	sshll.u32 s6, $0x1;
	s3 =	sadd.s32 s4, s19  }
0x9c: {  	s7 =	simm.s32 $0x0;
	s20 =	sshll.u32 s5, $0x1;
	s5 =	sadd.s32 s21, s3  }
0x9d: {  	[timem:s7], [sflag:s22] =	dma.local [hbm:s5], s20  }
0x9e: {  	_ =	swait.ge [sflag:s22], s20  }
0x9f: {  	s4 =	ssub.s32 $0x0, s20;
	[sflag:s22] =	ssyncset.done $0x0  }
0xa0: {  	[sflag:s22] =	ssyncadd.s32 s4;
	_ =	sdelay $0x1  }
0xa1: {  	s23 =	simm.s32 $0x1B8B  }
0xa2: {  	_ =	swait.ge [sflag:s23], $0x1  }
0xa3: {  	[sflag:s23] =	ssyncset.done $0x0  }
0xa4: {  	s25 =	simm.s32 $0x1B8E;
	s24 =	sld [smem:$0x3FFE];
	[sflag:s23] =	ssyncadd.s32 $0xFFFFFFFF  }
0xa5: {  	s26 =	simm.s32 $execute0_lowered;
	[smem:$0x3FD2] =	sst s25  }
0xa6: {  	s5 =	sshll.u32 s26, $0x1;
	_ =	strace $0x80000046;
	[dreg:$0x1] =	wrdreg $0xFFFFFFFF  }
0xa7: {  	s28 =	simm.s32 $_size_execute0_lowered;
	s3 =	sadd.s32 s3, s5;
	[dreg:$0x0] =	wrdreg $0x0  }
0xa8: {  	s5 =	sshll.u32 s28, $0x1;
	[dreg:$0x2] =	wrdreg s3  }
0xa9: {  	[dreg:$0x3] =	wrdreg s5  }
0xaa: {  	[dreg:$0x4] =	wrdreg $0xC0  }
0xab: {  	_ =	task [dreg:s7], $0x5FFFF  }
0xac: {  	[dreg:$0x1] =	wrdreg $0xFFFFFFFF  }
0xad: {  	[dreg:$0x0] =	wrdreg $0x60  }
0xae: {  	[dreg:$0x2] =	wrdreg s24  }
0xaf: {  	[dreg:$0x3] =	wrdreg s2  }
0xb0: {  	[dreg:$0x4] =	wrdreg $0x2C000  }
0xb1: {  	[dreg:$0x5] =	wrdreg $0x9  }
0xb2: {  	_ =	task.clear_ibuf [dreg:s7], $0x6FFFF;
	_ =	strace $0x90000046  }
0xb3: {  	s29 =	simm.s32 $0x9;
	_ =	strace $0x80000048  }
0xb4: {  	_ =	swait.ge [sflag:s29], $0x1  }
0xb5: {  	[sflag:s29] =	ssyncadd.s32 $0xFFFFFFFF  }
0xb6: {  	_ =	strace $0x90000048  }
0xb7: {  	_ =	sfence  }
0xb8: {  	s30 =	sld [smem:$0x0];
	_ =	sdelay $0x2  }
0xb9: {  	s31 =	sshll.u32 s1, $0xD;
	s1 =	sshrl.u32 s1, $0x2  }
0xba: {  	s3 =	sand.u32 $0x4000, s31;
	s1 =	sadd.s32 s1, s30  }
0xbb: {  	s0 =	sor.u32 s3, s0;
	s1 =	sshll.u32 s1, $0x11  }
0xbc: {  	s0 =	sor.u32 s1, s0  }
0xbd: {  	s0 =	sadd.s32 $0x8F2B, s0  }
0xbe: {  	[sflag:s0] =	ssyncadd.remote.s32 $0x1  }
0xbf: {  	_ =	sfence.sel $0xFFFF  }
0xc0: {  	[dreg:$0x0] =	wrdreg $0xFFFFFFFF;
	(pc) =	sbr.abs _section_cstart, $3  }
0xc1: {  	[dreg:$0x1] =	wrdreg $0xFFFFFFFF  }
0xc2: {  	_ =	task.clear_ibuf [dreg:s7], $0x2FFFF;
	_ =	strace $0x9FFFFFFF  }
0xc3: {  	(tm) =	ssettm $0x7FFFFFFF  }
tec
execute0_lowered:
.L_overlay_start_1:
0x0: {  	(tag) =	ssettag $0x1  }
0x1: {  	s5 =	rddreg [dreg:$0x0]  }
0x2: {  	s2 =	rddreg [dreg:$0x1]  }
0x3: {  	s0 =	srdreg.scid;
	s3 =	rddreg [dreg:$0x2]  }
0x4: {  	s1 =	rddreg [dreg:$0x3];
	s6 =	sand.u32 $0x1, s0  }
0x5: {  	s0 =	stileid.u32;
	s7 =	smul.u32 $0x28000, s6  }
0x6: {  	s4 =	simm.s32 $0x0;
	s17 =	simm.s32 $0x80;
	s8 =	smul.u32 $0x2800, s0  }
0x7: {  	s18 =	simm.s32 $0x1;
	[smem:$0x7FF] =	sst s4;
	s9 =	smul.u32 $0x1400, s0  }
0x8: {  	s19 =	simm.s32 $0x0;
	s29 =	smul.u32 $0x14000, s6;
	_ =	strace $0x80000047  }
0x9: {  	s10 =	smul.u32 $0x5000, s0;
	s6 =	ssub.s32 $0x2, s6;
	s31 =	sshll.u32 s0, $0x6  }
0xa: {  	s11 =	sshrl.u32 s6, $0x1;
	s7 =	sadd.s32 s8, s7;
	s8 =	sadd.s32 s9, s29  }
0xb: {  	s10 =	sshrl.u32 s10, $0x2;
	s11 =	ssub.s32 s6, s11;
	s12 =	sadd.s32 s9, s3  }
0xc: {  	s9 =	simm.s32 $0x2800;
	s7 =	sshrl.u32 s7, $0x3;
	s8 =	sshrl.u32 s8, $0x3  }
0xd: {  	s30 =	sadd.s32 s10, s3;
	s10 =	simm.s32 $0x2;
	s12 =	sshrl.u32 s12, $0x3  }
0xe: {  	s7 =	sadd.s32 s7, s5;
	s8 =	sadd.s32 s8, s5;
	s5 =	sadd.s32 $0x80, s2  }
0xf: {  	s13 =	sadd.s32 $0x400, s30;
	s14 =	sadd.s32 $0x800, s30;
	s15 =	sadd.s32 $0xC00, s30  }
0x10: {  	s16 =	sadd.s32 $0x1000, s30;
	s6 =	sadd.s32 $0xCA00, s7;
	s7 =	sadd.s32 $0x16A00, s8  }
0x11: {  	s8 =	smax.u32 s11, $0x1;
	s11 =	sor.u32 $0x1C02, s31;
	s13 =	sshrl.u32 s13, $0x3  }
0x12: {  	s14 =	sshrl.u32 s14, $0x3;
	s15 =	sshrl.u32 s15, $0x3;
	s16 =	sshrl.u32 s16, $0x3  }
.LBB2_1:
0x13: {  	[tilespmem:s9], [sflag:$0x2] =	stream.linear.gather [hbm4b:s2+s4], $0x400, $0x38;
	[tilespmem:$0x4000] =	vst v63  }
0x14: {  	_ =	swait.ge [sflag:s10], $0x400  }
0x15: {  	[sflag:s10] =	ssyncset.done $0x0  }
0x16: {  	[sflag:s10] =	ssyncadd.s32 $0xFFFFFC00  }
0x17: {  	[spmem:s12], [sflag:s11] =	dma.local [hbm:s5], $0x80  }
0x18: {  	_ =	swait.ge [sflag:s10], $0x80  }
0x19: {  	[sflag:s10] =	ssyncset.done $0x0  }
0x1a: {  	[sflag:s10] =	ssyncadd.s32 $0xFFFFFF80  }
0x1b: {  	[spmem:s13], [sflag:s11] =	dma.local [hbm:s5], $0x80  }
0x1c: {  	_ =	swait.ge [sflag:s10], $0x80  }
0x1d: {  	[sflag:s10] =	ssyncset.done $0x0  }
0x1e: {  	[sflag:s10] =	ssyncadd.s32 $0xFFFFFF80  }
0x1f: {  	[spmem:s14], [sflag:s11] =	dma.local [hbm:s5], $0x80  }
0x20: {  	_ =	swait.ge [sflag:s10], $0x80  }
0x21: {  	[sflag:s10] =	ssyncset.done $0x0  }
0x22: {  	[sflag:s10] =	ssyncadd.s32 $0xFFFFFF80  }
0x23: {  	[spmem:s15], [sflag:s11] =	dma.local [hbm:s5], $0x80  }
0x24: {  	_ =	swait.ge [sflag:s10], $0x80  }
0x25: {  	[sflag:s10] =	ssyncset.done $0x0  }
0x26: {  	[sflag:s10] =	ssyncadd.s32 $0xFFFFFF80  }
0x27: {  	[spmem:s16], [sflag:s11] =	dma.local [hbm:s5], $0x80  }
0x28: {  	_ =	swait.ge [sflag:s10], $0x80  }
0x29: {  	[sflag:s10] =	ssyncset.done $0x0  }
0x2a: {  	[sflag:s10] =	ssyncadd.s32 $0xFFFFFF80  }
0x2b: {  	[bflag:$0x0] =	sbarrier.arrive $0xFFFF  }
0x2c: {  	[tilespmem:s4], [sflag:$0x2] =	stream.linear.gather [hbm4b:s6+s4], $0x2800, $0x38;
	[tilespmem:$0x4000] =	vst v63  }
0x2d: {  	_ =	swait.ge [sflag:s10], $0x2800  }
0x2e: {  	[sflag:s10] =	ssyncset.done $0x0  }
0x2f: {  	s20 =	simm.s32 $0x0;
	[sflag:s10] =	ssyncadd.s32 $0xFFFFD800  }
0x30: {  	[spmem:s3] =	stream.indirect.scatter.add.f32 [tilespmem:s9], [sflag:$0x1], $0x8, s20, s17, $0xb8;
	[tilespmem:$0x4000] =	vst v63  }
0x31: {  	s24 =	simm.s32 $0x80  }
0x32: {  	[spmem:s3] =	stream.indirect.scatter.add.f32 [tilespmem:s9], [sflag:$0x1], $0x8, s24, s17, $0xb8;
	[tilespmem:$0x4000] =	vst v63  }
0x33: {  	s25 =	simm.s32 $0x100  }
0x34: {  	[spmem:s3] =	stream.indirect.scatter.add.f32 [tilespmem:s9], [sflag:$0x1], $0x8, s25, s17, $0xb8;
	[tilespmem:$0x4000] =	vst v63  }
0x35: {  	s26 =	simm.s32 $0x180  }
0x36: {  	[spmem:s3] =	stream.indirect.scatter.add.f32 [tilespmem:s9], [sflag:$0x1], $0x8, s26, s17, $0xb8;
	[tilespmem:$0x4000] =	vst v63  }
0x37: {  	s28 =	simm.s32 $0x200  }
0x38: {  	[spmem:s3] =	stream.indirect.scatter.add.f32 [tilespmem:s9], [sflag:$0x1], $0x8, s28, s17, $0xb8;
	[tilespmem:$0x4000] =	vst v63  }
0x39: {  	s29 =	simm.s32 $0x280  }
0x3a: {  	[spmem:s3] =	stream.indirect.scatter.add.f32 [tilespmem:s9], [sflag:$0x1], $0x8, s29, s17, $0xb8;
	[tilespmem:$0x4000] =	vst v63  }
0x3b: {  	s30 =	simm.s32 $0x300  }
0x3c: {  	[spmem:s3] =	stream.indirect.scatter.add.f32 [tilespmem:s9], [sflag:$0x1], $0x8, s30, s17, $0xb8;
	[tilespmem:$0x4000] =	vst v63  }
0x3d: {  	s31 =	simm.s32 $0x380  }
0x3e: {  	[spmem:s3] =	stream.indirect.scatter.add.f32 [tilespmem:s9], [sflag:$0x1], $0x8, s31, s17, $0xb8;
	[tilespmem:$0x4000] =	vst v63  }
0x3f: {  	_ =	swait.ge [sflag:s18], $0x400  }
0x40: {  	[sflag:s18] =	ssyncset.done $0x0  }
0x41: {  	[sflag:s18] =	ssyncadd.s32 $0xFFFFFC00  }
0x42: {  	_ =	swait.ge [sflag:s18], $0x400  }
0x43: {  	[sflag:s18] =	ssyncset.done $0x0  }
0x44: {  	[sflag:s18] =	ssyncadd.s32 $0xFFFFFC00  }
0x45: {  	_ =	swait.ge [sflag:s18], $0x400  }
0x46: {  	[sflag:s18] =	ssyncset.done $0x0  }
0x47: {  	[sflag:s18] =	ssyncadd.s32 $0xFFFFFC00  }
0x48: {  	_ =	swait.ge [sflag:s18], $0x400  }
0x49: {  	[sflag:s18] =	ssyncset.done $0x0  }
0x4a: {  	[sflag:s18] =	ssyncadd.s32 $0xFFFFFC00  }
0x4b: {  	_ =	swait.ge [sflag:s18], $0x400  }
0x4c: {  	[sflag:s18] =	ssyncset.done $0x0  }
0x4d: {  	[sflag:s18] =	ssyncadd.s32 $0xFFFFFC00  }
0x4e: {  	_ =	swait.ge [sflag:s18], $0x400  }
0x4f: {  	[sflag:s18] =	ssyncset.done $0x0  }
0x50: {  	[sflag:s18] =	ssyncadd.s32 $0xFFFFFC00  }
0x51: {  	_ =	swait.ge [sflag:s18], $0x400  }
0x52: {  	[sflag:s18] =	ssyncset.done $0x0  }
0x53: {  	[sflag:s18] =	ssyncadd.s32 $0xFFFFFC00  }
0x54: {  	_ =	swait.ge [sflag:s18], $0x400  }
0x55: {  	s22 =	simm.s32 $0x2000;
	s20 =	simm.s32 $0x1000;
	[sflag:s18] =	ssyncset.done $0x0  }
.LBB2_2:
0x56: {  	s23 =	sshra.s32 s20, $0x2  }
0x57: {  	[sflag:s18] =	ssyncadd.s32 $0xFFFFFC00;
	s20 =	smov.u32 s22;
	s21 =	sadd.s32 $0x1000, s22  }
0x58: {  	[spmem:s3] =	stream.indirect.scatter.add.f32 [tilespmem:s9], [sflag:$0x1], $0x8, s23, s17, $0xb8;
	[tilespmem:$0x4000] =	vst v63  }
0x59: {  	p0 =	sne.s32 s22, $0x9000;
	s22 =	sadd.s32 $0x80, s23  }
0x5a: {  	[spmem:s3] =	stream.indirect.scatter.add.f32 [tilespmem:s9], [sflag:$0x1], $0x8, s22, s17, $0xb8;
	[tilespmem:$0x4000] =	vst v63  }
0x5b: {  	s22 =	sadd.s32 $0x100, s23  }
0x5c: {  	[spmem:s3] =	stream.indirect.scatter.add.f32 [tilespmem:s9], [sflag:$0x1], $0x8, s22, s17, $0xb8;
	[tilespmem:$0x4000] =	vst v63  }
0x5d: {  	s22 =	sadd.s32 $0x180, s23  }
0x5e: {  	[spmem:s3] =	stream.indirect.scatter.add.f32 [tilespmem:s9], [sflag:$0x1], $0x8, s22, s17, $0xb8;
	[tilespmem:$0x4000] =	vst v63  }
0x5f: {  	s22 =	sadd.s32 $0x200, s23  }
0x60: {  	[spmem:s3] =	stream.indirect.scatter.add.f32 [tilespmem:s9], [sflag:$0x1], $0x8, s22, s17, $0xb8;
	[tilespmem:$0x4000] =	vst v63  }
0x61: {  	s22 =	sadd.s32 $0x280, s23  }
0x62: {  	[spmem:s3] =	stream.indirect.scatter.add.f32 [tilespmem:s9], [sflag:$0x1], $0x8, s22, s17, $0xb8;
	[tilespmem:$0x4000] =	vst v63  }
0x63: {  	s22 =	sadd.s32 $0x300, s23  }
0x64: {  	[spmem:s3] =	stream.indirect.scatter.add.f32 [tilespmem:s9], [sflag:$0x1], $0x8, s22, s17, $0xb8;
	[tilespmem:$0x4000] =	vst v63  }
0x65: {  	s22 =	sadd.s32 $0x380, s23  }
0x66: {  	[spmem:s3] =	stream.indirect.scatter.add.f32 [tilespmem:s9], [sflag:$0x1], $0x8, s22, s17, $0xb8;
	[tilespmem:$0x4000] =	vst v63  }
0x67: {  	_ =	swait.ge [sflag:s18], $0x400  }
0x68: {  	[sflag:s18] =	ssyncset.done $0x0  }
0x69: {  	[sflag:s18] =	ssyncadd.s32 $0xFFFFFC00  }
0x6a: {  	_ =	swait.ge [sflag:s18], $0x400  }
0x6b: {  	[sflag:s18] =	ssyncset.done $0x0  }
0x6c: {  	[sflag:s18] =	ssyncadd.s32 $0xFFFFFC00  }
0x6d: {  	_ =	swait.ge [sflag:s18], $0x400  }
0x6e: {  	[sflag:s18] =	ssyncset.done $0x0  }
0x6f: {  	[sflag:s18] =	ssyncadd.s32 $0xFFFFFC00  }
0x70: {  	_ =	swait.ge [sflag:s18], $0x400  }
0x71: {  	[sflag:s18] =	ssyncset.done $0x0  }
0x72: {  	[sflag:s18] =	ssyncadd.s32 $0xFFFFFC00  }
0x73: {  	_ =	swait.ge [sflag:s18], $0x400  }
0x74: {  	[sflag:s18] =	ssyncset.done $0x0  }
0x75: {  	[sflag:s18] =	ssyncadd.s32 $0xFFFFFC00  }
0x76: {  	_ =	swait.ge [sflag:s18], $0x400  }
0x77: {  	[sflag:s18] =	ssyncset.done $0x0  }
0x78: {  	[sflag:s18] =	ssyncadd.s32 $0xFFFFFC00  }
.Ltmp0:
0x79: {  	_ =	swait.ge [sflag:s18], $0x400;
	(pc) =	sbr.rel @p0 .LBB2_2-.Ltmp0, $4  }
0x7a: {  	[sflag:s18] =	ssyncset.done $0x0  }
0x7b: {  	[sflag:s18] =	ssyncadd.s32 $0xFFFFFC00  }
0x7c: {  	_ =	swait.ge [sflag:s18], $0x400  }
0x7d: {  	s22 =	smov.u32 s21;
	[sflag:s18] =	ssyncset.done $0x0  }
0x7e: {  	s20 =	sshra.s32 s20, $0x2;
	[sflag:s18] =	ssyncadd.s32 $0xFFFFFC00  }
0x7f: {  	[spmem:s3] =	stream.indirect.scatter.add.f32 [tilespmem:s9], [sflag:$0x1], $0x8, s20, s17, $0xb8;
	[tilespmem:$0x4000] =	vst v63  }
0x80: {  	s21 =	sadd.s32 $0x80, s20  }
0x81: {  	[spmem:s3] =	stream.indirect.scatter.add.f32 [tilespmem:s9], [sflag:$0x1], $0x8, s21, s17, $0xb8;
	[tilespmem:$0x4000] =	vst v63  }
0x82: {  	s26 =	sadd.s32 $0x100, s20  }
0x83: {  	[spmem:s3] =	stream.indirect.scatter.add.f32 [tilespmem:s9], [sflag:$0x1], $0x8, s26, s17, $0xb8;
	[tilespmem:$0x4000] =	vst v63  }
0x84: {  	s28 =	sadd.s32 $0x180, s20  }
0x85: {  	[spmem:s3] =	stream.indirect.scatter.add.f32 [tilespmem:s9], [sflag:$0x1], $0x8, s28, s17, $0xb8;
	[tilespmem:$0x4000] =	vst v63  }
0x86: {  	s29 =	sadd.s32 $0x200, s20  }
0x87: {  	[spmem:s3] =	stream.indirect.scatter.add.f32 [tilespmem:s9], [sflag:$0x1], $0x8, s29, s17, $0xb8;
	[tilespmem:$0x4000] =	vst v63  }
0x88: {  	s30 =	sadd.s32 $0x280, s20  }
0x89: {  	[spmem:s3] =	stream.indirect.scatter.add.f32 [tilespmem:s9], [sflag:$0x1], $0x8, s30, s17, $0xb8;
	[tilespmem:$0x4000] =	vst v63  }
0x8a: {  	s31 =	sadd.s32 $0x300, s20  }
0x8b: {  	[spmem:s3] =	stream.indirect.scatter.add.f32 [tilespmem:s9], [sflag:$0x1], $0x8, s31, s17, $0xb8;
	[tilespmem:$0x4000] =	vst v63  }
0x8c: {  	s20 =	sadd.s32 $0x380, s20  }
0x8d: {  	[spmem:s3] =	stream.indirect.scatter.add.f32 [tilespmem:s9], [sflag:$0x1], $0x8, s20, s17, $0xb8;
	[tilespmem:$0x4000] =	vst v63  }
0x8e: {  	_ =	swait.ge [sflag:s18], $0x400  }
0x8f: {  	[sflag:s18] =	ssyncset.done $0x0  }
0x90: {  	[sflag:s18] =	ssyncadd.s32 $0xFFFFFC00  }
0x91: {  	_ =	swait.ge [sflag:s18], $0x400  }
0x92: {  	[sflag:s18] =	ssyncset.done $0x0  }
0x93: {  	[sflag:s18] =	ssyncadd.s32 $0xFFFFFC00  }
0x94: {  	_ =	swait.ge [sflag:s18], $0x400  }
0x95: {  	[sflag:s18] =	ssyncset.done $0x0  }
0x96: {  	[sflag:s18] =	ssyncadd.s32 $0xFFFFFC00  }
0x97: {  	_ =	swait.ge [sflag:s18], $0x400  }
0x98: {  	[sflag:s18] =	ssyncset.done $0x0  }
0x99: {  	[sflag:s18] =	ssyncadd.s32 $0xFFFFFC00  }
0x9a: {  	_ =	swait.ge [sflag:s18], $0x400  }
0x9b: {  	[sflag:s18] =	ssyncset.done $0x0  }
0x9c: {  	[sflag:s18] =	ssyncadd.s32 $0xFFFFFC00  }
0x9d: {  	_ =	swait.ge [sflag:s18], $0x400  }
0x9e: {  	[sflag:s18] =	ssyncset.done $0x0  }
0x9f: {  	[sflag:s18] =	ssyncadd.s32 $0xFFFFFC00  }
0xa0: {  	_ =	swait.ge [sflag:s18], $0x400  }
0xa1: {  	[sflag:s18] =	ssyncset.done $0x0  }
0xa2: {  	[sflag:s18] =	ssyncadd.s32 $0xFFFFFC00  }
0xa3: {  	_ =	swait.ge [sflag:s18], $0x400  }
0xa4: {  	s19 =	sadd.s32 $0x1, s19;
	[sflag:s18] =	ssyncset.done $0x0  }
0xa5: {  	p0 =	sne.s32 s19, s8;
	[sflag:s18] =	ssyncadd.s32 $0xFFFFFC00  }
.Ltmp1:
0xa6: {  	[bflag:$0x0] =	sbarrier.arrive $0xFFFF;
	(pc) =	sbr.rel @p0 .LBB2_1-.Ltmp1, $4  }
0xa7: {  	[hbm:s7], [sflag:s11] =	dma.local [spmem:s12], $0x280  }
0xa8: {  	_ =	swait.ge [sflag:s10], $0x280  }
0xa9: {  	[sflag:s10] =	ssyncset.done $0x0  }
0xaa: {  	[sflag:s10] =	ssyncadd.s32 $0xFFFFFD80  }
0xab: {  	_ =	sfence.sel $0x180000  }
0xac: {  	[bflag:$0x0] =	sbarrier.arrive $0xFFFF  }
0xad: {  	p0 =	sne.s32 s0, $0x0;
	_ =	strace $0x90000047  }
0xae: {  	s0 =	sadd.s32 @!p0 $0x100000, s1;
	[bflag:$0x2] =	sbarrier.arrive $0xFFFF  }
0xaf: {  	[sflag:s0] =	ssyncadd.tile.s32 @!p0 $0x1;
	_ =	shalt  }
.Lfunc_end2:
_tile_overlayer_lowered:
.L_overlay_start_2:
0xb0: {  	(tag) =	ssettag $0x2  }
0xb1: {  	s0 =	rddreg [dreg:$0x0];
	s2 =	stileid.u32  }
0xb2: {  	s1 =	rddreg [dreg:$0x1];
	p0 =	sne.s32 s2, $0x0  }
0xb3: {  	s3 =	rddreg [dreg:$0x2];
	[bflag:$0x3] =	sbarrier.arrive $0xFFFF;
	s2 =	simm.s32 @!p0 $0x1C02  }
0xb4: {  	[timem:s3], [sflag:s2] =	dma.local @!p0 [hbm:s0], s1  }
0xb5: {  	s0 =	simm.s32 @!p0 $0x2  }
0xb6: {  	_ =	swait.ge @!p0 [sflag:s0], s1  }
0xb7: {  	s1 =	ssub.s32 @!p0 $0x0, s1;
	[sflag:s0] =	ssyncset.done @!p0 $0x0  }
0xb8: {  	[sflag:s0] =	ssyncadd.s32 @!p0 s1  }
0xb9: {  	[bflag:$0x3] =	sbarrier.arrive $0xFFFF  }
0xba: {  	_ =	shalt  }

</sc_bundles>
